<compile_context>
chip_gen: v7x
topology: tpu7x:2x2x1
jax: 0.10.2.dev20260603
libtpu: 0.0.44.dev20260713+nightly
codegen_flags: <defaults>
</compile_context>

<pallas_src>
import functools
import jax
import jax.numpy as jnp
from jax import lax
from jax.experimental import pallas as pl
from jax.experimental.pallas import tpu as pltpu
from jax.experimental.pallas import tpu_sc as plsc

_TC_ROWS = 512
_SC_CHUNK = 32


def _tc_body(tab_ref, out_ref):
    b = out_ref.shape[0]
    out_ref[...] = jnp.broadcast_to(tab_ref[...][None], (b,) + tab_ref.shape)


def _tc_broadcast(table, n, rows, embed):
    return pl.pallas_call(
        _tc_body,
        grid=(rows // _TC_ROWS,),
        in_specs=[pl.BlockSpec((_TC_ROWS, embed), lambda i: (i, 0))],
        out_specs=pl.BlockSpec((n, _TC_ROWS, embed), lambda i: (0, i, 0)),
        out_shape=jax.ShapeDtypeStruct((n, rows, embed), table.dtype),
    )(table)


def _sc_broadcast(table, n, rows, embed):
    info = plsc.get_sparse_core_info()
    nw = info.num_cores * info.num_subcores
    rows_per_w = rows // nw
    n_chunks = rows_per_w // _SC_CHUNK
    mesh = plsc.VectorSubcoreMesh(core_axis_name="c", subcore_axis_name="s")

    @functools.partial(
        pl.kernel,
        mesh=mesh,
        out_type=jax.ShapeDtypeStruct((n, rows, embed), table.dtype),
        scratch_types=[
            pltpu.VMEM((_SC_CHUNK, embed), table.dtype),
            pltpu.VMEM((_SC_CHUNK, embed), table.dtype),
            pltpu.SemaphoreType.DMA,
            pltpu.SemaphoreType.DMA,
            pltpu.SemaphoreType.DMA,
            pltpu.SemaphoreType.DMA,
        ],
    )
    def sc_kernel(tab_hbm, out_hbm, buf0, buf1, rsem0, rsem1, wsem0, wsem1):
        wid = lax.axis_index("s") * info.num_cores + lax.axis_index("c")
        base = wid * rows_per_w
        bufs = (buf0, buf1)
        rsems = (rsem0, rsem1)
        wsems = (wsem0, wsem1)

        reads = {}
        writes = {}

        def start_read(c):
            start = base + c * _SC_CHUNK
            reads[c] = pltpu.async_copy(
                tab_hbm.at[pl.ds(start, _SC_CHUNK)], bufs[c % 2], rsems[c % 2]
            )

        start_read(0)
        for c in range(n_chunks):
            if c >= 2:
                for h in writes[c - 2]:
                    h.wait()
            reads[c].wait()
            if c + 1 < n_chunks:
                if c >= 1:
                    for h in writes[c - 1]:
                        h.wait()
                    writes[c - 1] = []
                start_read(c + 1)
            start = base + c * _SC_CHUNK
            writes[c] = [
                pltpu.async_copy(
                    bufs[c % 2], out_hbm.at[b, pl.ds(start, _SC_CHUNK)], wsems[c % 2]
                )
                for b in range(n)
            ]
        for h in writes.get(n_chunks - 2, []):
            h.wait()
        for h in writes[n_chunks - 1]:
            h.wait()

    return sc_kernel(table)


def kernel(src, tgt, src_pos_table, tgt_pos_table):
    n = src.shape[0]
    src_len = src.shape[1]
    tgt_len = tgt.shape[1]
    embed = src_pos_table.shape[1]

    tgt_out = _sc_broadcast(tgt_pos_table[:tgt_len], n, tgt_len, embed)
    src_out = _tc_broadcast(src_pos_table[:src_len], n, src_len, embed)
    return (src_out, tgt_out)

# --- scband reference (transcript-rebuilt; emitter-appended) ---
"""Pipeline reference for scband-base-transformer-20280835572012 (READ-ONLY COPY).

The authoritative reference and input builder live on the scoring server;
editing this copy changes nothing except your own understanding.
"""

import jax, jax.numpy as jnp
import numpy as np

B = 4
SRC_LEN = 8192
TGT_LEN = 8192
EMBED = 1024
MAX_LEN = 8192
VOCAB = 32000


def setup_inputs(seed: int = 0) -> dict:
    key = jax.random.key(seed)
    k1, k2, k3, k4 = jax.random.split(key, 4)
    src = jax.random.randint(k1, (B, SRC_LEN), 0, VOCAB, dtype=jnp.int32)
    tgt = jax.random.randint(k2, (B, TGT_LEN), 0, VOCAB, dtype=jnp.int32)
    src_pos_table = jax.random.normal(k3, (MAX_LEN, EMBED), dtype=jnp.float32) * 0.02
    tgt_pos_table = jax.random.normal(k4, (MAX_LEN, EMBED), dtype=jnp.float32) * 0.02
    return {"src": src, "tgt": tgt, "src_pos_table": src_pos_table, "tgt_pos_table": tgt_pos_table}


def reference(src, tgt, src_pos_table, tgt_pos_table):
    # Faithful translation of BaseTransformer.get_positional_word_embeddings.
    # src may be a dict in the original; here it is a tensor of token ids.
    N, src_seq_length = src.shape
    _, tgt_seq_length = tgt.shape
    src_positions = jnp.broadcast_to(jnp.arange(src_seq_length, dtype=jnp.int32)[None, :], (N, src_seq_length))
    tgt_positions = jnp.broadcast_to(jnp.arange(tgt_seq_length, dtype=jnp.int32)[None, :], (N, tgt_seq_length))
    # nn.Embedding lookup -> row gather from the positional tables
    src_positional_embedding = jnp.take(src_pos_table, src_positions, axis=0)
    tgt_positional_embedding = jnp.take(tgt_pos_table, tgt_positions, axis=0)
    return (src_positional_embedding, tgt_positional_embedding)

if __name__ == "__main__":
    import jax
    _d = setup_inputs()
    print(jax.jit(kernel)(*tuple(_d.values())))

</pallas_src>

<mosaic_0001>
#map = affine_map<(d0, d1) -> (0, 0)>
#map1 = affine_map<(d0, d1) -> (0, 0, 0)>
module attributes {stable_mosaic.version = 14 : i64} {
  func.func @sc_kernel(%arg0: i32, %arg1: i32, %arg2: memref<8192x1024xf32, #tpu.memory_space<hbm>>, %arg3: memref<4x8192x1024xf32, #tpu.memory_space<hbm>>, %arg4: memref<32x1024xf32, #tpu.memory_space<vmem>>, %arg5: memref<32x1024xf32, #tpu.memory_space<vmem>>, %arg6: memref<!tpu.dma_semaphore, #tpu.memory_space<semaphore_mem>>, %arg7: memref<!tpu.dma_semaphore, #tpu.memory_space<semaphore_mem>>, %arg8: memref<!tpu.dma_semaphore, #tpu.memory_space<semaphore_mem>>, %arg9: memref<!tpu.dma_semaphore, #tpu.memory_space<semaphore_mem>>) attributes {dimension_semantics = [#tpu.dimension_semantics<core_parallel>, #tpu.dimension_semantics<subcore_parallel>], iteration_bounds = array<i64: 2, 16>, scalar_prefetch = 0 : i64, scratch_operands = 6 : i64, tpu.core_type = #tpu.core_type<sc_vector_subcore>, window_params = [{transform_indices = #map}, {transform_indices = #map1}]} {
    %mul3A = arith.constant 2 : i32
    %mul3A_0 = arith.muli %arg1, %mul3A : i32
    %add3A = arith.addi %mul3A_0, %arg0 : i32
    %mul3A_1 = arith.constant 256 : i32
    %mul3A_2 = arith.muli %add3A, %mul3A_1 : i32
    %add3A_3 = arith.constant 0 : i32
    %add3A_4 = arith.addi %mul3A_2, %add3A_3 : i32
    %dma_start3A = arith.constant 0 : i32
    %dma_start3A_5 = tpu.memref_slice %arg2[%add3A_4, %dma_start3A] : memref<8192x1024xf32, #tpu.memory_space<hbm>> -> memref<32x1024xf32, #tpu.memory_space<hbm>>
    %dma_start3A_6 = arith.constant 0 : i32
    %dma_start3A_7 = tpu.memref_slice %arg2[%add3A_4, %dma_start3A_6] : memref<8192x1024xf32, #tpu.memory_space<hbm>> -> memref<32x1024xf32, #tpu.memory_space<hbm>>
    tpu.enqueue_dma source(%dma_start3A_7 : memref<32x1024xf32, #tpu.memory_space<hbm>>) target(%arg4 : memref<32x1024xf32, #tpu.memory_space<vmem>>) target_semaphore(%arg6 : memref<!tpu.dma_semaphore, #tpu.memory_space<semaphore_mem>>)
    %dma_wait3A = arith.constant 0 : i32
    %dma_wait3A_8 = tpu.memref_slice %arg2[%add3A_4, %dma_wait3A] : memref<8192x1024xf32, #tpu.memory_space<hbm>> -> memref<32x1024xf32, #tpu.memory_space<hbm>>
    %dma_wait3A_9 = arith.constant 0 : i32
    %dma_wait3A_10 = tpu.memref_slice %arg2[%add3A_4, %dma_wait3A_9] : memref<8192x1024xf32, #tpu.memory_space<hbm>> -> memref<32x1024xf32, #tpu.memory_space<hbm>>
    tpu.wait_dma2 semaphore(%arg6 : memref<!tpu.dma_semaphore, #tpu.memory_space<semaphore_mem>>) src(%dma_wait3A_10 : memref<32x1024xf32, #tpu.memory_space<hbm>>) dst(%arg4 : memref<32x1024xf32, #tpu.memory_space<vmem>>)
    %add3A_11 = arith.constant 32 : i32
    %add3A_12 = arith.addi %mul3A_2, %add3A_11 : i32
    %dma_start3A_13 = arith.constant 0 : i32
    %dma_start3A_14 = tpu.memref_slice %arg2[%add3A_12, %dma_start3A_13] : memref<8192x1024xf32, #tpu.memory_space<hbm>> -> memref<32x1024xf32, #tpu.memory_space<hbm>>
    %dma_start3A_15 = arith.constant 0 : i32
    %dma_start3A_16 = tpu.memref_slice %arg2[%add3A_12, %dma_start3A_15] : memref<8192x1024xf32, #tpu.memory_space<hbm>> -> memref<32x1024xf32, #tpu.memory_space<hbm>>
    tpu.enqueue_dma source(%dma_start3A_16 : memref<32x1024xf32, #tpu.memory_space<hbm>>) target(%arg5 : memref<32x1024xf32, #tpu.memory_space<vmem>>) target_semaphore(%arg7 : memref<!tpu.dma_semaphore, #tpu.memory_space<semaphore_mem>>)
    %add3A_17 = arith.constant 0 : i32
    %add3A_18 = arith.addi %mul3A_2, %add3A_17 : i32
    %dma_start3A_19 = arith.constant 0 : i32
    %dma_start3A_20 = arith.constant 0 : i32
    %dma_start3A_21 = tpu.memref_slice %arg3[%dma_start3A_19, %add3A_18, %dma_start3A_20] : memref<4x8192x1024xf32, #tpu.memory_space<hbm>> -> memref<1x32x1024xf32, #tpu.memory_space<hbm>>
    %dma_start3A_22 = tpu.memref_squeeze %dma_start3A_21 : memref<1x32x1024xf32, #tpu.memory_space<hbm>> -> memref<32x1024xf32, #tpu.memory_space<hbm>>
    %dma_start3A_23 = arith.constant 0 : i32
    %dma_start3A_24 = tpu.memref_slice %arg3[%dma_start3A_19, %add3A_18, %dma_start3A_23] : memref<4x8192x1024xf32, #tpu.memory_space<hbm>> -> memref<1x32x1024xf32, #tpu.memory_space<hbm>>
    %dma_start3A_25 = tpu.memref_squeeze %dma_start3A_24 : memref<1x32x1024xf32, #tpu.memory_space<hbm>> -> memref<32x1024xf32, #tpu.memory_space<hbm>>
    tpu.enqueue_dma source(%arg4 : memref<32x1024xf32, #tpu.memory_space<vmem>>) target(%dma_start3A_25 : memref<32x1024xf32, #tpu.memory_space<hbm>>) target_semaphore(%arg8 : memref<!tpu.dma_semaphore, #tpu.memory_space<semaphore_mem>>)
    %dma_start3A_26 = arith.constant 1 : i32
    %dma_start3A_27 = arith.constant 0 : i32
    %dma_start3A_28 = tpu.memref_slice %arg3[%dma_start3A_26, %add3A_18, %dma_start3A_27] : memref<4x8192x1024xf32, #tpu.memory_space<hbm>> -> memref<1x32x1024xf32, #tpu.memory_space<hbm>>
    %dma_start3A_29 = tpu.memref_squeeze %dma_start3A_28 : memref<1x32x1024xf32, #tpu.memory_space<hbm>> -> memref<32x1024xf32, #tpu.memory_space<hbm>>
    %dma_start3A_30 = arith.constant 0 : i32
    %dma_start3A_31 = tpu.memref_slice %arg3[%dma_start3A_26, %add3A_18, %dma_start3A_30] : memref<4x8192x1024xf32, #tpu.memory_space<hbm>> -> memref<1x32x1024xf32, #tpu.memory_space<hbm>>
    %dma_start3A_32 = tpu.memref_squeeze %dma_start3A_31 : memref<1x32x1024xf32, #tpu.memory_space<hbm>> -> memref<32x1024xf32, #tpu.memory_space<hbm>>
    tpu.enqueue_dma source(%arg4 : memref<32x1024xf32, #tpu.memory_space<vmem>>) target(%dma_start3A_32 : memref<32x1024xf32, #tpu.memory_space<hbm>>) target_semaphore(%arg8 : memref<!tpu.dma_semaphore, #tpu.memory_space<semaphore_mem>>)
    %dma_start3A_33 = arith.constant 2 : i32
    %dma_start3A_34 = arith.constant 0 : i32
    %dma_start3A_35 = tpu.memref_slice %arg3[%dma_start3A_33, %add3A_18, %dma_start3A_34] : memref<4x8192x1024xf32, #tpu.memory_space<hbm>> -> memref<1x32x1024xf32, #tpu.memory_space<hbm>>
    %dma_start3A_36 = tpu.memref_squeeze %dma_start3A_35 : memref<1x32x1024xf32, #tpu.memory_space<hbm>> -> memref<32x1024xf32, #tpu.memory_space<hbm>>
    %dma_start3A_37 = arith.constant 0 : i32
    %dma_start3A_38 = tpu.memref_slice %arg3[%dma_start3A_33, %add3A_18, %dma_start3A_37] : memref<4x8192x1024xf32, #tpu.memory_space<hbm>> -> memref<1x32x1024xf32, #tpu.memory_space<hbm>>
    %dma_start3A_39 = tpu.memref_squeeze %dma_start3A_38 : memref<1x32x1024xf32, #tpu.memory_space<hbm>> -> memref<32x1024xf32, #tpu.memory_space<hbm>>
    tpu.enqueue_dma source(%arg4 : memref<32x1024xf32, #tpu.memory_space<vmem>>) target(%dma_start3A_39 : memref<32x1024xf32, #tpu.memory_space<hbm>>) target_semaphore(%arg8 : memref<!tpu.dma_semaphore, #tpu.memory_space<semaphore_mem>>)
    %dma_start3A_40 = arith.constant 3 : i32
    %dma_start3A_41 = arith.constant 0 : i32
    %dma_start3A_42 = tpu.memref_slice %arg3[%dma_start3A_40, %add3A_18, %dma_start3A_41] : memref<4x8192x1024xf32, #tpu.memory_space<hbm>> -> memref<1x32x1024xf32, #tpu.memory_space<hbm>>
    %dma_start3A_43 = tpu.memref_squeeze %dma_start3A_42 : memref<1x32x1024xf32, #tpu.memory_space<hbm>> -> memref<32x1024xf32, #tpu.memory_space<hbm>>
    %dma_start3A_44 = arith.constant 0 : i32
    %dma_start3A_45 = tpu.memref_slice %arg3[%dma_start3A_40, %add3A_18, %dma_start3A_44] : memref<4x8192x1024xf32, #tpu.memory_space<hbm>> -> memref<1x32x1024xf32, #tpu.memory_space<hbm>>
    %dma_start3A_46 = tpu.memref_squeeze %dma_start3A_45 : memref<1x32x1024xf32, #tpu.memory_space<hbm>> -> memref<32x1024xf32, #tpu.memory_space<hbm>>
    tpu.enqueue_dma source(%arg4 : memref<32x1024xf32, #tpu.memory_space<vmem>>) target(%dma_start3A_46 : memref<32x1024xf32, #tpu.memory_space<hbm>>) target_semaphore(%arg8 : memref<!tpu.dma_semaphore, #tpu.memory_space<semaphore_mem>>)
    %dma_wait3A_47 = arith.constant 0 : i32
    %dma_wait3A_48 = tpu.memref_slice %arg2[%add3A_12, %dma_wait3A_47] : memref<8192x1024xf32, #tpu.memory_space<hbm>> -> memref<32x1024xf32, #tpu.memory_space<hbm>>
    %dma_wait3A_49 = arith.constant 0 : i32
    %dma_wait3A_50 = tpu.memref_slice %arg2[%add3A_12, %dma_wait3A_49] : memref<8192x1024xf32, #tpu.memory_space<hbm>> -> memref<32x1024xf32, #tpu.memory_space<hbm>>
    tpu.wait_dma2 semaphore(%arg7 : memref<!tpu.dma_semaphore, #tpu.memory_space<semaphore_mem>>) src(%dma_wait3A_50 : memref<32x1024xf32, #tpu.memory_space<hbm>>) dst(%arg5 : memref<32x1024xf32, #tpu.memory_space<vmem>>)
    %dma_wait3A_51 = arith.constant 0 : i32
    %dma_wait3A_52 = arith.constant 0 : i32
    %dma_wait3A_53 = tpu.memref_slice %arg3[%dma_wait3A_51, %add3A_18, %dma_wait3A_52] : memref<4x8192x1024xf32, #tpu.memory_space<hbm>> -> memref<1x32x1024xf32, #tpu.memory_space<hbm>>
    %dma_wait3A_54 = tpu.memref_squeeze %dma_wait3A_53 : memref<1x32x1024xf32, #tpu.memory_space<hbm>> -> memref<32x1024xf32, #tpu.memory_space<hbm>>
    %dma_wait3A_55 = arith.constant 0 : i32
    %dma_wait3A_56 = tpu.memref_slice %arg3[%dma_wait3A_51, %add3A_18, %dma_wait3A_55] : memref<4x8192x1024xf32, #tpu.memory_space<hbm>> -> memref<1x32x1024xf32, #tpu.memory_space<hbm>>
    %dma_wait3A_57 = tpu.memref_squeeze %dma_wait3A_56 : memref<1x32x1024xf32, #tpu.memory_space<hbm>> -> memref<32x1024xf32, #tpu.memory_space<hbm>>
    tpu.wait_dma2 semaphore(%arg8 : memref<!tpu.dma_semaphore, #tpu.memory_space<semaphore_mem>>) src(%arg4 : memref<32x1024xf32, #tpu.memory_space<vmem>>) dst(%dma_wait3A_57 : memref<32x1024xf32, #tpu.memory_space<hbm>>)
    %dma_wait3A_58 = arith.constant 1 : i32
    %dma_wait3A_59 = arith.constant 0 : i32
    %dma_wait3A_60 = tpu.memref_slice %arg3[%dma_wait3A_58, %add3A_18, %dma_wait3A_59] : memref<4x8192x1024xf32, #tpu.memory_space<hbm>> -> memref<1x32x1024xf32, #tpu.memory_space<hbm>>
    %dma_wait3A_61 = tpu.memref_squeeze %dma_wait3A_60 : memref<1x32x1024xf32, #tpu.memory_space<hbm>> -> memref<32x1024xf32, #tpu.memory_space<hbm>>
    %dma_wait3A_62 = arith.constant 0 : i32
    %dma_wait3A_63 = tpu.memref_slice %arg3[%dma_wait3A_58, %add3A_18, %dma_wait3A_62] : memref<4x8192x1024xf32, #tpu.memory_space<hbm>> -> memref<1x32x1024xf32, #tpu.memory_space<hbm>>
    %dma_wait3A_64 = tpu.memref_squeeze %dma_wait3A_63 : memref<1x32x1024xf32, #tpu.memory_space<hbm>> -> memref<32x1024xf32, #tpu.memory_space<hbm>>
    tpu.wait_dma2 semaphore(%arg8 : memref<!tpu.dma_semaphore, #tpu.memory_space<semaphore_mem>>) src(%arg4 : memref<32x1024xf32, #tpu.memory_space<vmem>>) dst(%dma_wait3A_64 : memref<32x1024xf32, #tpu.memory_space<hbm>>)
    %dma_wait3A_65 = arith.constant 2 : i32
    %dma_wait3A_66 = arith.constant 0 : i32
    %dma_wait3A_67 = tpu.memref_slice %arg3[%dma_wait3A_65, %add3A_18, %dma_wait3A_66] : memref<4x8192x1024xf32, #tpu.memory_space<hbm>> -> memref<1x32x1024xf32, #tpu.memory_space<hbm>>
    %dma_wait3A_68 = tpu.memref_squeeze %dma_wait3A_67 : memref<1x32x1024xf32, #tpu.memory_space<hbm>> -> memref<32x1024xf32, #tpu.memory_space<hbm>>
    %dma_wait3A_69 = arith.constant 0 : i32
    %dma_wait3A_70 = tpu.memref_slice %arg3[%dma_wait3A_65, %add3A_18, %dma_wait3A_69] : memref<4x8192x1024xf32, #tpu.memory_space<hbm>> -> memref<1x32x1024xf32, #tpu.memory_space<hbm>>
    %dma_wait3A_71 = tpu.memref_squeeze %dma_wait3A_70 : memref<1x32x1024xf32, #tpu.memory_space<hbm>> -> memref<32x1024xf32, #tpu.memory_space<hbm>>
    tpu.wait_dma2 semaphore(%arg8 : memref<!tpu.dma_semaphore, #tpu.memory_space<semaphore_mem>>) src(%arg4 : memref<32x1024xf32, #tpu.memory_space<vmem>>) dst(%dma_wait3A_71 : memref<32x1024xf32, #tpu.memory_space<hbm>>)
    %dma_wait3A_72 = arith.constant 3 : i32
    %dma_wait3A_73 = arith.constant 0 : i32
    %dma_wait3A_74 = tpu.memref_slice %arg3[%dma_wait3A_72, %add3A_18, %dma_wait3A_73] : memref<4x8192x1024xf32, #tpu.memory_space<hbm>> -> memref<1x32x1024xf32, #tpu.memory_space<hbm>>
    %dma_wait3A_75 = tpu.memref_squeeze %dma_wait3A_74 : memref<1x32x1024xf32, #tpu.memory_space<hbm>> -> memref<32x1024xf32, #tpu.memory_space<hbm>>
    %dma_wait3A_76 = arith.constant 0 : i32
    %dma_wait3A_77 = tpu.memref_slice %arg3[%dma_wait3A_72, %add3A_18, %dma_wait3A_76] : memref<4x8192x1024xf32, #tpu.memory_space<hbm>> -> memref<1x32x1024xf32, #tpu.memory_space<hbm>>
    %dma_wait3A_78 = tpu.memref_squeeze %dma_wait3A_77 : memref<1x32x1024xf32, #tpu.memory_space<hbm>> -> memref<32x1024xf32, #tpu.memory_space<hbm>>
    tpu.wait_dma2 semaphore(%arg8 : memref<!tpu.dma_semaphore, #tpu.memory_space<semaphore_mem>>) src(%arg4 : memref<32x1024xf32, #tpu.memory_space<vmem>>) dst(%dma_wait3A_78 : memref<32x1024xf32, #tpu.memory_space<hbm>>)
    %add3A_79 = arith.constant 64 : i32
    %add3A_80 = arith.addi %mul3A_2, %add3A_79 : i32
    %dma_start3A_81 = arith.constant 0 : i32
    %dma_start3A_82 = tpu.memref_slice %arg2[%add3A_80, %dma_start3A_81] : memref<8192x1024xf32, #tpu.memory_space<hbm>> -> memref<32x1024xf32, #tpu.memory_space<hbm>>
    %dma_start3A_83 = arith.constant 0 : i32
    %dma_start3A_84 = tpu.memref_slice %arg2[%add3A_80, %dma_start3A_83] : memref<8192x1024xf32, #tpu.memory_space<hbm>> -> memref<32x1024xf32, #tpu.memory_space<hbm>>
    tpu.enqueue_dma source(%dma_start3A_84 : memref<32x1024xf32, #tpu.memory_space<hbm>>) target(%arg4 : memref<32x1024xf32, #tpu.memory_space<vmem>>) target_semaphore(%arg6 : memref<!tpu.dma_semaphore, #tpu.memory_space<semaphore_mem>>)
    %add3A_85 = arith.constant 32 : i32
    %add3A_86 = arith.addi %mul3A_2, %add3A_85 : i32
    %dma_start3A_87 = arith.constant 0 : i32
    %dma_start3A_88 = arith.constant 0 : i32
    %dma_start3A_89 = tpu.memref_slice %arg3[%dma_start3A_87, %add3A_86, %dma_start3A_88] : memref<4x8192x1024xf32, #tpu.memory_space<hbm>> -> memref<1x32x1024xf32, #tpu.memory_space<hbm>>
    %dma_start3A_90 = tpu.memref_squeeze %dma_start3A_89 : memref<1x32x1024xf32, #tpu.memory_space<hbm>> -> memref<32x1024xf32, #tpu.memory_space<hbm>>
    %dma_start3A_91 = arith.constant 0 : i32
    %dma_start3A_92 = tpu.memref_slice %arg3[%dma_start3A_87, %add3A_86, %dma_start3A_91] : memref<4x8192x1024xf32, #tpu.memory_space<hbm>> -> memref<1x32x1024xf32, #tpu.memory_space<hbm>>
    %dma_start3A_93 = tpu.memref_squeeze %dma_start3A_92 : memref<1x32x1024xf32, #tpu.memory_space<hbm>> -> memref<32x1024xf32, #tpu.memory_space<hbm>>
    tpu.enqueue_dma source(%arg5 : memref<32x1024xf32, #tpu.memory_space<vmem>>) target(%dma_start3A_93 : memref<32x1024xf32, #tpu.memory_space<hbm>>) target_semaphore(%arg9 : memref<!tpu.dma_semaphore, #tpu.memory_space<semaphore_mem>>)
    %dma_start3A_94 = arith.constant 1 : i32
    %dma_start3A_95 = arith.constant 0 : i32
    %dma_start3A_96 = tpu.memref_slice %arg3[%dma_start3A_94, %add3A_86, %dma_start3A_95] : memref<4x8192x1024xf32, #tpu.memory_space<hbm>> -> memref<1x32x1024xf32, #tpu.memory_space<hbm>>
    %dma_start3A_97 = tpu.memref_squeeze %dma_start3A_96 : memref<1x32x1024xf32, #tpu.memory_space<hbm>> -> memref<32x1024xf32, #tpu.memory_space<hbm>>
    %dma_start3A_98 = arith.constant 0 : i32
    %dma_start3A_99 = tpu.memref_slice %arg3[%dma_start3A_94, %add3A_86, %dma_start3A_98] : memref<4x8192x1024xf32, #tpu.memory_space<hbm>> -> memref<1x32x1024xf32, #tpu.memory_space<hbm>>
    %dma_start3A_100 = tpu.memref_squeeze %dma_start3A_99 : memref<1x32x1024xf32, #tpu.memory_space<hbm>> -> memref<32x1024xf32, #tpu.memory_space<hbm>>
    tpu.enqueue_dma source(%arg5 : memref<32x1024xf32, #tpu.memory_space<vmem>>) target(%dma_start3A_100 : memref<32x1024xf32, #tpu.memory_space<hbm>>) target_semaphore(%arg9 : memref<!tpu.dma_semaphore, #tpu.memory_space<semaphore_mem>>)
    %dma_start3A_101 = arith.constant 2 : i32
    %dma_start3A_102 = arith.constant 0 : i32
    %dma_start3A_103 = tpu.memref_slice %arg3[%dma_start3A_101, %add3A_86, %dma_start3A_102] : memref<4x8192x1024xf32, #tpu.memory_space<hbm>> -> memref<1x32x1024xf32, #tpu.memory_space<hbm>>
    %dma_start3A_104 = tpu.memref_squeeze %dma_start3A_103 : memref<1x32x1024xf32, #tpu.memory_space<hbm>> -> memref<32x1024xf32, #tpu.memory_space<hbm>>
    %dma_start3A_105 = arith.constant 0 : i32
    %dma_start3A_106 = tpu.memref_slice %arg3[%dma_start3A_101, %add3A_86, %dma_start3A_105] : memref<4x8192x1024xf32, #tpu.memory_space<hbm>> -> memref<1x32x1024xf32, #tpu.memory_space<hbm>>
    %dma_start3A_107 = tpu.memref_squeeze %dma_start3A_106 : memref<1x32x1024xf32, #tpu.memory_space<hbm>> -> memref<32x1024xf32, #tpu.memory_space<hbm>>
    tpu.enqueue_dma source(%arg5 : memref<32x1024xf32, #tpu.memory_space<vmem>>) target(%dma_start3A_107 : memref<32x1024xf32, #tpu.memory_space<hbm>>) target_semaphore(%arg9 : memref<!tpu.dma_semaphore, #tpu.memory_space<semaphore_mem>>)
    %dma_start3A_108 = arith.constant 3 : i32
    %dma_start3A_109 = arith.constant 0 : i32
    %dma_start3A_110 = tpu.memref_slice %arg3[%dma_start3A_108, %add3A_86, %dma_start3A_109] : memref<4x8192x1024xf32, #tpu.memory_space<hbm>> -> memref<1x32x1024xf32, #tpu.memory_space<hbm>>
    %dma_start3A_111 = tpu.memref_squeeze %dma_start3A_110 : memref<1x32x1024xf32, #tpu.memory_space<hbm>> -> memref<32x1024xf32, #tpu.memory_space<hbm>>
    %dma_start3A_112 = arith.constant 0 : i32
    %dma_start3A_113 = tpu.memref_slice %arg3[%dma_start3A_108, %add3A_86, %dma_start3A_112] : memref<4x8192x1024xf32, #tpu.memory_space<hbm>> -> memref<1x32x1024xf32, #tpu.memory_space<hbm>>
    %dma_start3A_114 = tpu.memref_squeeze %dma_start3A_113 : memref<1x32x1024xf32, #tpu.memory_space<hbm>> -> memref<32x1024xf32, #tpu.memory_space<hbm>>
    tpu.enqueue_dma source(%arg5 : memref<32x1024xf32, #tpu.memory_space<vmem>>) target(%dma_start3A_114 : memref<32x1024xf32, #tpu.memory_space<hbm>>) target_semaphore(%arg9 : memref<!tpu.dma_semaphore, #tpu.memory_space<semaphore_mem>>)
    %dma_wait3A_115 = arith.constant 0 : i32
    %dma_wait3A_116 = tpu.memref_slice %arg2[%add3A_80, %dma_wait3A_115] : memref<8192x1024xf32, #tpu.memory_space<hbm>> -> memref<32x1024xf32, #tpu.memory_space<hbm>>
    %dma_wait3A_117 = arith.constant 0 : i32
    %dma_wait3A_118 = tpu.memref_slice %arg2[%add3A_80, %dma_wait3A_117] : memref<8192x1024xf32, #tpu.memory_space<hbm>> -> memref<32x1024xf32, #tpu.memory_space<hbm>>
    tpu.wait_dma2 semaphore(%arg6 : memref<!tpu.dma_semaphore, #tpu.memory_space<semaphore_mem>>) src(%dma_wait3A_118 : memref<32x1024xf32, #tpu.memory_space<hbm>>) dst(%arg4 : memref<32x1024xf32, #tpu.memory_space<vmem>>)
    %dma_wait3A_119 = arith.constant 0 : i32
    %dma_wait3A_120 = arith.constant 0 : i32
    %dma_wait3A_121 = tpu.memref_slice %arg3[%dma_wait3A_119, %add3A_86, %dma_wait3A_120] : memref<4x8192x1024xf32, #tpu.memory_space<hbm>> -> memref<1x32x1024xf32, #tpu.memory_space<hbm>>
    %dma_wait3A_122 = tpu.memref_squeeze %dma_wait3A_121 : memref<1x32x1024xf32, #tpu.memory_space<hbm>> -> memref<32x1024xf32, #tpu.memory_space<hbm>>
    %dma_wait3A_123 = arith.constant 0 : i32
    %dma_wait3A_124 = tpu.memref_slice %arg3[%dma_wait3A_119, %add3A_86, %dma_wait3A_123] : memref<4x8192x1024xf32, #tpu.memory_space<hbm>> -> memref<1x32x1024xf32, #tpu.memory_space<hbm>>
    %dma_wait3A_125 = tpu.memref_squeeze %dma_wait3A_124 : memref<1x32x1024xf32, #tpu.memory_space<hbm>> -> memref<32x1024xf32, #tpu.memory_space<hbm>>
    tpu.wait_dma2 semaphore(%arg9 : memref<!tpu.dma_semaphore, #tpu.memory_space<semaphore_mem>>) src(%arg5 : memref<32x1024xf32, #tpu.memory_space<vmem>>) dst(%dma_wait3A_125 : memref<32x1024xf32, #tpu.memory_space<hbm>>)
    %dma_wait3A_126 = arith.constant 1 : i32
    %dma_wait3A_127 = arith.constant 0 : i32
    %dma_wait3A_128 = tpu.memref_slice %arg3[%dma_wait3A_126, %add3A_86, %dma_wait3A_127] : memref<4x8192x1024xf32, #tpu.memory_space<hbm>> -> memref<1x32x1024xf32, #tpu.memory_space<hbm>>
    %dma_wait3A_129 = tpu.memref_squeeze %dma_wait3A_128 : memref<1x32x1024xf32, #tpu.memory_space<hbm>> -> memref<32x1024xf32, #tpu.memory_space<hbm>>
    %dma_wait3A_130 = arith.constant 0 : i32
    %dma_wait3A_131 = tpu.memref_slice %arg3[%dma_wait3A_126, %add3A_86, %dma_wait3A_130] : memref<4x8192x1024xf32, #tpu.memory_space<hbm>> -> memref<1x32x1024xf32, #tpu.memory_space<hbm>>
    %dma_wait3A_132 = tpu.memref_squeeze %dma_wait3A_131 : memref<1x32x1024xf32, #tpu.memory_space<hbm>> -> memref<32x1024xf32, #tpu.memory_space<hbm>>
    tpu.wait_dma2 semaphore(%arg9 : memref<!tpu.dma_semaphore, #tpu.memory_space<semaphore_mem>>) src(%arg5 : memref<32x1024xf32, #tpu.memory_space<vmem>>) dst(%dma_wait3A_132 : memref<32x1024xf32, #tpu.memory_space<hbm>>)
    %dma_wait3A_133 = arith.constant 2 : i32
    %dma_wait3A_134 = arith.constant 0 : i32
    %dma_wait3A_135 = tpu.memref_slice %arg3[%dma_wait3A_133, %add3A_86, %dma_wait3A_134] : memref<4x8192x1024xf32, #tpu.memory_space<hbm>> -> memref<1x32x1024xf32, #tpu.memory_space<hbm>>
    %dma_wait3A_136 = tpu.memref_squeeze %dma_wait3A_135 : memref<1x32x1024xf32, #tpu.memory_space<hbm>> -> memref<32x1024xf32, #tpu.memory_space<hbm>>
    %dma_wait3A_137 = arith.constant 0 : i32
    %dma_wait3A_138 = tpu.memref_slice %arg3[%dma_wait3A_133, %add3A_86, %dma_wait3A_137] : memref<4x8192x1024xf32, #tpu.memory_space<hbm>> -> memref<1x32x1024xf32, #tpu.memory_space<hbm>>
    %dma_wait3A_139 = tpu.memref_squeeze %dma_wait3A_138 : memref<1x32x1024xf32, #tpu.memory_space<hbm>> -> memref<32x1024xf32, #tpu.memory_space<hbm>>
    tpu.wait_dma2 semaphore(%arg9 : memref<!tpu.dma_semaphore, #tpu.memory_space<semaphore_mem>>) src(%arg5 : memref<32x1024xf32, #tpu.memory_space<vmem>>) dst(%dma_wait3A_139 : memref<32x1024xf32, #tpu.memory_space<hbm>>)
    %dma_wait3A_140 = arith.constant 3 : i32
    %dma_wait3A_141 = arith.constant 0 : i32
    %dma_wait3A_142 = tpu.memref_slice %arg3[%dma_wait3A_140, %add3A_86, %dma_wait3A_141] : memref<4x8192x1024xf32, #tpu.memory_space<hbm>> -> memref<1x32x1024xf32, #tpu.memory_space<hbm>>
    %dma_wait3A_143 = tpu.memref_squeeze %dma_wait3A_142 : memref<1x32x1024xf32, #tpu.memory_space<hbm>> -> memref<32x1024xf32, #tpu.memory_space<hbm>>
    %dma_wait3A_144 = arith.constant 0 : i32
    %dma_wait3A_145 = tpu.memref_slice %arg3[%dma_wait3A_140, %add3A_86, %dma_wait3A_144] : memref<4x8192x1024xf32, #tpu.memory_space<hbm>> -> memref<1x32x1024xf32, #tpu.memory_space<hbm>>
    %dma_wait3A_146 = tpu.memref_squeeze %dma_wait3A_145 : memref<1x32x1024xf32, #tpu.memory_space<hbm>> -> memref<32x1024xf32, #tpu.memory_space<hbm>>
    tpu.wait_dma2 semaphore(%arg9 : memref<!tpu.dma_semaphore, #tpu.memory_space<semaphore_mem>>) src(%arg5 : memref<32x1024xf32, #tpu.memory_space<vmem>>) dst(%dma_wait3A_146 : memref<32x1024xf32, #tpu.memory_space<hbm>>)
    %add3A_147 = arith.constant 96 : i32
    %add3A_148 = arith.addi %mul3A_2, %add3A_147 : i32
    %dma_start3A_149 = arith.constant 0 : i32
    %dma_start3A_150 = tpu.memref_slice %arg2[%add3A_148, %dma_start3A_149] : memref<8192x1024xf32, #tpu.memory_space<hbm>> -> memref<32x1024xf32, #tpu.memory_space<hbm>>
    %dma_start3A_151 = arith.constant 0 : i32
    %dma_start3A_152 = tpu.memref_slice %arg2[%add3A_148, %dma_start3A_151] : memref<8192x1024xf32, #tpu.memory_space<hbm>> -> memref<32x1024xf32, #tpu.memory_space<hbm>>
    tpu.enqueue_dma source(%dma_start3A_152 : memref<32x1024xf32, #tpu.memory_space<hbm>>) target(%arg5 : memref<32x1024xf32, #tpu.memory_space<vmem>>) target_semaphore(%arg7 : memref<!tpu.dma_semaphore, #tpu.memory_space<semaphore_mem>>)
    %add3A_153 = arith.constant 64 : i32
    %add3A_154 = arith.addi %mul3A_2, %add3A_153 : i32
    %dma_start3A_155 = arith.constant 0 : i32
    %dma_start3A_156 = arith.constant 0 : i32
    %dma_start3A_157 = tpu.memref_slice %arg3[%dma_start3A_155, %add3A_154, %dma_start3A_156] : memref<4x8192x1024xf32, #tpu.memory_space<hbm>> -> memref<1x32x1024xf32, #tpu.memory_space<hbm>>
    %dma_start3A_158 = tpu.memref_squeeze %dma_start3A_157 : memref<1x32x1024xf32, #tpu.memory_space<hbm>> -> memref<32x1024xf32, #tpu.memory_space<hbm>>
    %dma_start3A_159 = arith.constant 0 : i32
    %dma_start3A_160 = tpu.memref_slice %arg3[%dma_start3A_155, %add3A_154, %dma_start3A_159] : memref<4x8192x1024xf32, #tpu.memory_space<hbm>> -> memref<1x32x1024xf32, #tpu.memory_space<hbm>>
    %dma_start3A_161 = tpu.memref_squeeze %dma_start3A_160 : memref<1x32x1024xf32, #tpu.memory_space<hbm>> -> memref<32x1024xf32, #tpu.memory_space<hbm>>
    tpu.enqueue_dma source(%arg4 : memref<32x1024xf32, #tpu.memory_space<vmem>>) target(%dma_start3A_161 : memref<32x1024xf32, #tpu.memory_space<hbm>>) target_semaphore(%arg8 : memref<!tpu.dma_semaphore, #tpu.memory_space<semaphore_mem>>)
    %dma_start3A_162 = arith.constant 1 : i32
    %dma_start3A_163 = arith.constant 0 : i32
    %dma_start3A_164 = tpu.memref_slice %arg3[%dma_start3A_162, %add3A_154, %dma_start3A_163] : memref<4x8192x1024xf32, #tpu.memory_space<hbm>> -> memref<1x32x1024xf32, #tpu.memory_space<hbm>>
    %dma_start3A_165 = tpu.memref_squeeze %dma_start3A_164 : memref<1x32x1024xf32, #tpu.memory_space<hbm>> -> memref<32x1024xf32, #tpu.memory_space<hbm>>
    %dma_start3A_166 = arith.constant 0 : i32
    %dma_start3A_167 = tpu.memref_slice %arg3[%dma_start3A_162, %add3A_154, %dma_start3A_166] : memref<4x8192x1024xf32, #tpu.memory_space<hbm>> -> memref<1x32x1024xf32, #tpu.memory_space<hbm>>
    %dma_start3A_168 = tpu.memref_squeeze %dma_start3A_167 : memref<1x32x1024xf32, #tpu.memory_space<hbm>> -> memref<32x1024xf32, #tpu.memory_space<hbm>>
    tpu.enqueue_dma source(%arg4 : memref<32x1024xf32, #tpu.memory_space<vmem>>) target(%dma_start3A_168 : memref<32x1024xf32, #tpu.memory_space<hbm>>) target_semaphore(%arg8 : memref<!tpu.dma_semaphore, #tpu.memory_space<semaphore_mem>>)
    %dma_start3A_169 = arith.constant 2 : i32
    %dma_start3A_170 = arith.constant 0 : i32
    %dma_start3A_171 = tpu.memref_slice %arg3[%dma_start3A_169, %add3A_154, %dma_start3A_170] : memref<4x8192x1024xf32, #tpu.memory_space<hbm>> -> memref<1x32x1024xf32, #tpu.memory_space<hbm>>
    %dma_start3A_172 = tpu.memref_squeeze %dma_start3A_171 : memref<1x32x1024xf32, #tpu.memory_space<hbm>> -> memref<32x1024xf32, #tpu.memory_space<hbm>>
    %dma_start3A_173 = arith.constant 0 : i32
    %dma_start3A_174 = tpu.memref_slice %arg3[%dma_start3A_169, %add3A_154, %dma_start3A_173] : memref<4x8192x1024xf32, #tpu.memory_space<hbm>> -> memref<1x32x1024xf32, #tpu.memory_space<hbm>>
    %dma_start3A_175 = tpu.memref_squeeze %dma_start3A_174 : memref<1x32x1024xf32, #tpu.memory_space<hbm>> -> memref<32x1024xf32, #tpu.memory_space<hbm>>
    tpu.enqueue_dma source(%arg4 : memref<32x1024xf32, #tpu.memory_space<vmem>>) target(%dma_start3A_175 : memref<32x1024xf32, #tpu.memory_space<hbm>>) target_semaphore(%arg8 : memref<!tpu.dma_semaphore, #tpu.memory_space<semaphore_mem>>)
    %dma_start3A_176 = arith.constant 3 : i32
    %dma_start3A_177 = arith.constant 0 : i32
    %dma_start3A_178 = tpu.memref_slice %arg3[%dma_start3A_176, %add3A_154, %dma_start3A_177] : memref<4x8192x1024xf32, #tpu.memory_space<hbm>> -> memref<1x32x1024xf32, #tpu.memory_space<hbm>>
    %dma_start3A_179 = tpu.memref_squeeze %dma_start3A_178 : memref<1x32x1024xf32, #tpu.memory_space<hbm>> -> memref<32x1024xf32, #tpu.memory_space<hbm>>
    %dma_start3A_180 = arith.constant 0 : i32
    %dma_start3A_181 = tpu.memref_slice %arg3[%dma_start3A_176, %add3A_154, %dma_start3A_180] : memref<4x8192x1024xf32, #tpu.memory_space<hbm>> -> memref<1x32x1024xf32, #tpu.memory_space<hbm>>
    %dma_start3A_182 = tpu.memref_squeeze %dma_start3A_181 : memref<1x32x1024xf32, #tpu.memory_space<hbm>> -> memref<32x1024xf32, #tpu.memory_space<hbm>>
    tpu.enqueue_dma source(%arg4 : memref<32x1024xf32, #tpu.memory_space<vmem>>) target(%dma_start3A_182 : memref<32x1024xf32, #tpu.memory_space<hbm>>) target_semaphore(%arg8 : memref<!tpu.dma_semaphore, #tpu.memory_space<semaphore_mem>>)
    %dma_wait3A_183 = arith.constant 0 : i32
    %dma_wait3A_184 = tpu.memref_slice %arg2[%add3A_148, %dma_wait3A_183] : memref<8192x1024xf32, #tpu.memory_space<hbm>> -> memref<32x1024xf32, #tpu.memory_space<hbm>>
    %dma_wait3A_185 = arith.constant 0 : i32
    %dma_wait3A_186 = tpu.memref_slice %arg2[%add3A_148, %dma_wait3A_185] : memref<8192x1024xf32, #tpu.memory_space<hbm>> -> memref<32x1024xf32, #tpu.memory_space<hbm>>
    tpu.wait_dma2 semaphore(%arg7 : memref<!tpu.dma_semaphore, #tpu.memory_space<semaphore_mem>>) src(%dma_wait3A_186 : memref<32x1024xf32, #tpu.memory_space<hbm>>) dst(%arg5 : memref<32x1024xf32, #tpu.memory_space<vmem>>)
    %dma_wait3A_187 = arith.constant 0 : i32
    %dma_wait3A_188 = arith.constant 0 : i32
    %dma_wait3A_189 = tpu.memref_slice %arg3[%dma_wait3A_187, %add3A_154, %dma_wait3A_188] : memref<4x8192x1024xf32, #tpu.memory_space<hbm>> -> memref<1x32x1024xf32, #tpu.memory_space<hbm>>
    %dma_wait3A_190 = tpu.memref_squeeze %dma_wait3A_189 : memref<1x32x1024xf32, #tpu.memory_space<hbm>> -> memref<32x1024xf32, #tpu.memory_space<hbm>>
    %dma_wait3A_191 = arith.constant 0 : i32
    %dma_wait3A_192 = tpu.memref_slice %arg3[%dma_wait3A_187, %add3A_154, %dma_wait3A_191] : memref<4x8192x1024xf32, #tpu.memory_space<hbm>> -> memref<1x32x1024xf32, #tpu.memory_space<hbm>>
    %dma_wait3A_193 = tpu.memref_squeeze %dma_wait3A_192 : memref<1x32x1024xf32, #tpu.memory_space<hbm>> -> memref<32x1024xf32, #tpu.memory_space<hbm>>
    tpu.wait_dma2 semaphore(%arg8 : memref<!tpu.dma_semaphore, #tpu.memory_space<semaphore_mem>>) src(%arg4 : memref<32x1024xf32, #tpu.memory_space<vmem>>) dst(%dma_wait3A_193 : memref<32x1024xf32, #tpu.memory_space<hbm>>)
    %dma_wait3A_194 = arith.constant 1 : i32
    %dma_wait3A_195 = arith.constant 0 : i32
    %dma_wait3A_196 = tpu.memref_slice %arg3[%dma_wait3A_194, %add3A_154, %dma_wait3A_195] : memref<4x8192x1024xf32, #tpu.memory_space<hbm>> -> memref<1x32x1024xf32, #tpu.memory_space<hbm>>
    %dma_wait3A_197 = tpu.memref_squeeze %dma_wait3A_196 : memref<1x32x1024xf32, #tpu.memory_space<hbm>> -> memref<32x1024xf32, #tpu.memory_space<hbm>>
    %dma_wait3A_198 = arith.constant 0 : i32
    %dma_wait3A_199 = tpu.memref_slice %arg3[%dma_wait3A_194, %add3A_154, %dma_wait3A_198] : memref<4x8192x1024xf32, #tpu.memory_space<hbm>> -> memref<1x32x1024xf32, #tpu.memory_space<hbm>>
    %dma_wait3A_200 = tpu.memref_squeeze %dma_wait3A_199 : memref<1x32x1024xf32, #tpu.memory_space<hbm>> -> memref<32x1024xf32, #tpu.memory_space<hbm>>
    tpu.wait_dma2 semaphore(%arg8 : memref<!tpu.dma_semaphore, #tpu.memory_space<semaphore_mem>>) src(%arg4 : memref<32x1024xf32, #tpu.memory_space<vmem>>) dst(%dma_wait3A_200 : memref<32x1024xf32, #tpu.memory_space<hbm>>)
    %dma_wait3A_201 = arith.constant 2 : i32
    %dma_wait3A_202 = arith.constant 0 : i32
    %dma_wait3A_203 = tpu.memref_slice %arg3[%dma_wait3A_201, %add3A_154, %dma_wait3A_202] : memref<4x8192x1024xf32, #tpu.memory_space<hbm>> -> memref<1x32x1024xf32, #tpu.memory_space<hbm>>
    %dma_wait3A_204 = tpu.memref_squeeze %dma_wait3A_203 : memref<1x32x1024xf32, #tpu.memory_space<hbm>> -> memref<32x1024xf32, #tpu.memory_space<hbm>>
    %dma_wait3A_205 = arith.constant 0 : i32
    %dma_wait3A_206 = tpu.memref_slice %arg3[%dma_wait3A_201, %add3A_154, %dma_wait3A_205] : memref<4x8192x1024xf32, #tpu.memory_space<hbm>> -> memref<1x32x1024xf32, #tpu.memory_space<hbm>>
    %dma_wait3A_207 = tpu.memref_squeeze %dma_wait3A_206 : memref<1x32x1024xf32, #tpu.memory_space<hbm>> -> memref<32x1024xf32, #tpu.memory_space<hbm>>
    tpu.wait_dma2 semaphore(%arg8 : memref<!tpu.dma_semaphore, #tpu.memory_space<semaphore_mem>>) src(%arg4 : memref<32x1024xf32, #tpu.memory_space<vmem>>) dst(%dma_wait3A_207 : memref<32x1024xf32, #tpu.memory_space<hbm>>)
    %dma_wait3A_208 = arith.constant 3 : i32
    %dma_wait3A_209 = arith.constant 0 : i32
    %dma_wait3A_210 = tpu.memref_slice %arg3[%dma_wait3A_208, %add3A_154, %dma_wait3A_209] : memref<4x8192x1024xf32, #tpu.memory_space<hbm>> -> memref<1x32x1024xf32, #tpu.memory_space<hbm>>
    %dma_wait3A_211 = tpu.memref_squeeze %dma_wait3A_210 : memref<1x32x1024xf32, #tpu.memory_space<hbm>> -> memref<32x1024xf32, #tpu.memory_space<hbm>>
    %dma_wait3A_212 = arith.constant 0 : i32
    %dma_wait3A_213 = tpu.memref_slice %arg3[%dma_wait3A_208, %add3A_154, %dma_wait3A_212] : memref<4x8192x1024xf32, #tpu.memory_space<hbm>> -> memref<1x32x1024xf32, #tpu.memory_space<hbm>>
    %dma_wait3A_214 = tpu.memref_squeeze %dma_wait3A_213 : memref<1x32x1024xf32, #tpu.memory_space<hbm>> -> memref<32x1024xf32, #tpu.memory_space<hbm>>
    tpu.wait_dma2 semaphore(%arg8 : memref<!tpu.dma_semaphore, #tpu.memory_space<semaphore_mem>>) src(%arg4 : memref<32x1024xf32, #tpu.memory_space<vmem>>) dst(%dma_wait3A_214 : memref<32x1024xf32, #tpu.memory_space<hbm>>)
    %add3A_215 = arith.constant 128 : i32
    %add3A_216 = arith.addi %mul3A_2, %add3A_215 : i32
    %dma_start3A_217 = arith.constant 0 : i32
    %dma_start3A_218 = tpu.memref_slice %arg2[%add3A_216, %dma_start3A_217] : memref<8192x1024xf32, #tpu.memory_space<hbm>> -> memref<32x1024xf32, #tpu.memory_space<hbm>>
    %dma_start3A_219 = arith.constant 0 : i32
    %dma_start3A_220 = tpu.memref_slice %arg2[%add3A_216, %dma_start3A_219] : memref<8192x1024xf32, #tpu.memory_space<hbm>> -> memref<32x1024xf32, #tpu.memory_space<hbm>>
    tpu.enqueue_dma source(%dma_start3A_220 : memref<32x1024xf32, #tpu.memory_space<hbm>>) target(%arg4 : memref<32x1024xf32, #tpu.memory_space<vmem>>) target_semaphore(%arg6 : memref<!tpu.dma_semaphore, #tpu.memory_space<semaphore_mem>>)
    %add3A_221 = arith.constant 96 : i32
    %add3A_222 = arith.addi %mul3A_2, %add3A_221 : i32
    %dma_start3A_223 = arith.constant 0 : i32
    %dma_start3A_224 = arith.constant 0 : i32
    %dma_start3A_225 = tpu.memref_slice %arg3[%dma_start3A_223, %add3A_222, %dma_start3A_224] : memref<4x8192x1024xf32, #tpu.memory_space<hbm>> -> memref<1x32x1024xf32, #tpu.memory_space<hbm>>
    %dma_start3A_226 = tpu.memref_squeeze %dma_start3A_225 : memref<1x32x1024xf32, #tpu.memory_space<hbm>> -> memref<32x1024xf32, #tpu.memory_space<hbm>>
    %dma_start3A_227 = arith.constant 0 : i32
    %dma_start3A_228 = tpu.memref_slice %arg3[%dma_start3A_223, %add3A_222, %dma_start3A_227] : memref<4x8192x1024xf32, #tpu.memory_space<hbm>> -> memref<1x32x1024xf32, #tpu.memory_space<hbm>>
    %dma_start3A_229 = tpu.memref_squeeze %dma_start3A_228 : memref<1x32x1024xf32, #tpu.memory_space<hbm>> -> memref<32x1024xf32, #tpu.memory_space<hbm>>
    tpu.enqueue_dma source(%arg5 : memref<32x1024xf32, #tpu.memory_space<vmem>>) target(%dma_start3A_229 : memref<32x1024xf32, #tpu.memory_space<hbm>>) target_semaphore(%arg9 : memref<!tpu.dma_semaphore, #tpu.memory_space<semaphore_mem>>)
    %dma_start3A_230 = arith.constant 1 : i32
    %dma_start3A_231 = arith.constant 0 : i32
    %dma_start3A_232 = tpu.memref_slice %arg3[%dma_start3A_230, %add3A_222, %dma_start3A_231] : memref<4x8192x1024xf32, #tpu.memory_space<hbm>> -> memref<1x32x1024xf32, #tpu.memory_space<hbm>>
    %dma_start3A_233 = tpu.memref_squeeze %dma_start3A_232 : memref<1x32x1024xf32, #tpu.memory_space<hbm>> -> memref<32x1024xf32, #tpu.memory_space<hbm>>
    %dma_start3A_234 = arith.constant 0 : i32
    %dma_start3A_235 = tpu.memref_slice %arg3[%dma_start3A_230, %add3A_222, %dma_start3A_234] : memref<4x8192x1024xf32, #tpu.memory_space<hbm>> -> memref<1x32x1024xf32, #tpu.memory_space<hbm>>
    %dma_start3A_236 = tpu.memref_squeeze %dma_start3A_235 : memref<1x32x1024xf32, #tpu.memory_space<hbm>> -> memref<32x1024xf32, #tpu.memory_space<hbm>>
    tpu.enqueue_dma source(%arg5 : memref<32x1024xf32, #tpu.memory_space<vmem>>) target(%dma_start3A_236 : memref<32x1024xf32, #tpu.memory_space<hbm>>) target_semaphore(%arg9 : memref<!tpu.dma_semaphore, #tpu.memory_space<semaphore_mem>>)
    %dma_start3A_237 = arith.constant 2 : i32
    %dma_start3A_238 = arith.constant 0 : i32
    %dma_start3A_239 = tpu.memref_slice %arg3[%dma_start3A_237, %add3A_222, %dma_start3A_238] : memref<4x8192x1024xf32, #tpu.memory_space<hbm>> -> memref<1x32x1024xf32, #tpu.memory_space<hbm>>
    %dma_start3A_240 = tpu.memref_squeeze %dma_start3A_239 : memref<1x32x1024xf32, #tpu.memory_space<hbm>> -> memref<32x1024xf32, #tpu.memory_space<hbm>>
    %dma_start3A_241 = arith.constant 0 : i32
    %dma_start3A_242 = tpu.memref_slice %arg3[%dma_start3A_237, %add3A_222, %dma_start3A_241] : memref<4x8192x1024xf32, #tpu.memory_space<hbm>> -> memref<1x32x1024xf32, #tpu.memory_space<hbm>>
    %dma_start3A_243 = tpu.memref_squeeze %dma_start3A_242 : memref<1x32x1024xf32, #tpu.memory_space<hbm>> -> memref<32x1024xf32, #tpu.memory_space<hbm>>
    tpu.enqueue_dma source(%arg5 : memref<32x1024xf32, #tpu.memory_space<vmem>>) target(%dma_start3A_243 : memref<32x1024xf32, #tpu.memory_space<hbm>>) target_semaphore(%arg9 : memref<!tpu.dma_semaphore, #tpu.memory_space<semaphore_mem>>)
    %dma_start3A_244 = arith.constant 3 : i32
    %dma_start3A_245 = arith.constant 0 : i32
    %dma_start3A_246 = tpu.memref_slice %arg3[%dma_start3A_244, %add3A_222, %dma_start3A_245] : memref<4x8192x1024xf32, #tpu.memory_space<hbm>> -> memref<1x32x1024xf32, #tpu.memory_space<hbm>>
    %dma_start3A_247 = tpu.memref_squeeze %dma_start3A_246 : memref<1x32x1024xf32, #tpu.memory_space<hbm>> -> memref<32x1024xf32, #tpu.memory_space<hbm>>
    %dma_start3A_248 = arith.constant 0 : i32
    %dma_start3A_249 = tpu.memref_slice %arg3[%dma_start3A_244, %add3A_222, %dma_start3A_248] : memref<4x8192x1024xf32, #tpu.memory_space<hbm>> -> memref<1x32x1024xf32, #tpu.memory_space<hbm>>
    %dma_start3A_250 = tpu.memref_squeeze %dma_start3A_249 : memref<1x32x1024xf32, #tpu.memory_space<hbm>> -> memref<32x1024xf32, #tpu.memory_space<hbm>>
    tpu.enqueue_dma source(%arg5 : memref<32x1024xf32, #tpu.memory_space<vmem>>) target(%dma_start3A_250 : memref<32x1024xf32, #tpu.memory_space<hbm>>) target_semaphore(%arg9 : memref<!tpu.dma_semaphore, #tpu.memory_space<semaphore_mem>>)
    %dma_wait3A_251 = arith.constant 0 : i32
    %dma_wait3A_252 = tpu.memref_slice %arg2[%add3A_216, %dma_wait3A_251] : memref<8192x1024xf32, #tpu.memory_space<hbm>> -> memref<32x1024xf32, #tpu.memory_space<hbm>>
    %dma_wait3A_253 = arith.constant 0 : i32
    %dma_wait3A_254 = tpu.memref_slice %arg2[%add3A_216, %dma_wait3A_253] : memref<8192x1024xf32, #tpu.memory_space<hbm>> -> memref<32x1024xf32, #tpu.memory_space<hbm>>
    tpu.wait_dma2 semaphore(%arg6 : memref<!tpu.dma_semaphore, #tpu.memory_space<semaphore_mem>>) src(%dma_wait3A_254 : memref<32x1024xf32, #tpu.memory_space<hbm>>) dst(%arg4 : memref<32x1024xf32, #tpu.memory_space<vmem>>)
    %dma_wait3A_255 = arith.constant 0 : i32
    %dma_wait3A_256 = arith.constant 0 : i32
    %dma_wait3A_257 = tpu.memref_slice %arg3[%dma_wait3A_255, %add3A_222, %dma_wait3A_256] : memref<4x8192x1024xf32, #tpu.memory_space<hbm>> -> memref<1x32x1024xf32, #tpu.memory_space<hbm>>
    %dma_wait3A_258 = tpu.memref_squeeze %dma_wait3A_257 : memref<1x32x1024xf32, #tpu.memory_space<hbm>> -> memref<32x1024xf32, #tpu.memory_space<hbm>>
    %dma_wait3A_259 = arith.constant 0 : i32
    %dma_wait3A_260 = tpu.memref_slice %arg3[%dma_wait3A_255, %add3A_222, %dma_wait3A_259] : memref<4x8192x1024xf32, #tpu.memory_space<hbm>> -> memref<1x32x1024xf32, #tpu.memory_space<hbm>>
    %dma_wait3A_261 = tpu.memref_squeeze %dma_wait3A_260 : memref<1x32x1024xf32, #tpu.memory_space<hbm>> -> memref<32x1024xf32, #tpu.memory_space<hbm>>
    tpu.wait_dma2 semaphore(%arg9 : memref<!tpu.dma_semaphore, #tpu.memory_space<semaphore_mem>>) src(%arg5 : memref<32x1024xf32, #tpu.memory_space<vmem>>) dst(%dma_wait3A_261 : memref<32x1024xf32, #tpu.memory_space<hbm>>)
    %dma_wait3A_262 = arith.constant 1 : i32
    %dma_wait3A_263 = arith.constant 0 : i32
    %dma_wait3A_264 = tpu.memref_slice %arg3[%dma_wait3A_262, %add3A_222, %dma_wait3A_263] : memref<4x8192x1024xf32, #tpu.memory_space<hbm>> -> memref<1x32x1024xf32, #tpu.memory_space<hbm>>
    %dma_wait3A_265 = tpu.memref_squeeze %dma_wait3A_264 : memref<1x32x1024xf32, #tpu.memory_space<hbm>> -> memref<32x1024xf32, #tpu.memory_space<hbm>>
    %dma_wait3A_266 = arith.constant 0 : i32
    %dma_wait3A_267 = tpu.memref_slice %arg3[%dma_wait3A_262, %add3A_222, %dma_wait3A_266] : memref<4x8192x1024xf32, #tpu.memory_space<hbm>> -> memref<1x32x1024xf32, #tpu.memory_space<hbm>>
    %dma_wait3A_268 = tpu.memref_squeeze %dma_wait3A_267 : memref<1x32x1024xf32, #tpu.memory_space<hbm>> -> memref<32x1024xf32, #tpu.memory_space<hbm>>
    tpu.wait_dma2 semaphore(%arg9 : memref<!tpu.dma_semaphore, #tpu.memory_space<semaphore_mem>>) src(%arg5 : memref<32x1024xf32, #tpu.memory_space<vmem>>) dst(%dma_wait3A_268 : memref<32x1024xf32, #tpu.memory_space<hbm>>)
    %dma_wait3A_269 = arith.constant 2 : i32
    %dma_wait3A_270 = arith.constant 0 : i32
    %dma_wait3A_271 = tpu.memref_slice %arg3[%dma_wait3A_269, %add3A_222, %dma_wait3A_270] : memref<4x8192x1024xf32, #tpu.memory_space<hbm>> -> memref<1x32x1024xf32, #tpu.memory_space<hbm>>
    %dma_wait3A_272 = tpu.memref_squeeze %dma_wait3A_271 : memref<1x32x1024xf32, #tpu.memory_space<hbm>> -> memref<32x1024xf32, #tpu.memory_space<hbm>>
    %dma_wait3A_273 = arith.constant 0 : i32
    %dma_wait3A_274 = tpu.memref_slice %arg3[%dma_wait3A_269, %add3A_222, %dma_wait3A_273] : memref<4x8192x1024xf32, #tpu.memory_space<hbm>> -> memref<1x32x1024xf32, #tpu.memory_space<hbm>>
    %dma_wait3A_275 = tpu.memref_squeeze %dma_wait3A_274 : memref<1x32x1024xf32, #tpu.memory_space<hbm>> -> memref<32x1024xf32, #tpu.memory_space<hbm>>
    tpu.wait_dma2 semaphore(%arg9 : memref<!tpu.dma_semaphore, #tpu.memory_space<semaphore_mem>>) src(%arg5 : memref<32x1024xf32, #tpu.memory_space<vmem>>) dst(%dma_wait3A_275 : memref<32x1024xf32, #tpu.memory_space<hbm>>)
    %dma_wait3A_276 = arith.constant 3 : i32
    %dma_wait3A_277 = arith.constant 0 : i32
    %dma_wait3A_278 = tpu.memref_slice %arg3[%dma_wait3A_276, %add3A_222, %dma_wait3A_277] : memref<4x8192x1024xf32, #tpu.memory_space<hbm>> -> memref<1x32x1024xf32, #tpu.memory_space<hbm>>
    %dma_wait3A_279 = tpu.memref_squeeze %dma_wait3A_278 : memref<1x32x1024xf32, #tpu.memory_space<hbm>> -> memref<32x1024xf32, #tpu.memory_space<hbm>>
    %dma_wait3A_280 = arith.constant 0 : i32
    %dma_wait3A_281 = tpu.memref_slice %arg3[%dma_wait3A_276, %add3A_222, %dma_wait3A_280] : memref<4x8192x1024xf32, #tpu.memory_space<hbm>> -> memref<1x32x1024xf32, #tpu.memory_space<hbm>>
    %dma_wait3A_282 = tpu.memref_squeeze %dma_wait3A_281 : memref<1x32x1024xf32, #tpu.memory_space<hbm>> -> memref<32x1024xf32, #tpu.memory_space<hbm>>
    tpu.wait_dma2 semaphore(%arg9 : memref<!tpu.dma_semaphore, #tpu.memory_space<semaphore_mem>>) src(%arg5 : memref<32x1024xf32, #tpu.memory_space<vmem>>) dst(%dma_wait3A_282 : memref<32x1024xf32, #tpu.memory_space<hbm>>)
    %add3A_283 = arith.constant 160 : i32
    %add3A_284 = arith.addi %mul3A_2, %add3A_283 : i32
    %dma_start3A_285 = arith.constant 0 : i32
    %dma_start3A_286 = tpu.memref_slice %arg2[%add3A_284, %dma_start3A_285] : memref<8192x1024xf32, #tpu.memory_space<hbm>> -> memref<32x1024xf32, #tpu.memory_space<hbm>>
    %dma_start3A_287 = arith.constant 0 : i32
    %dma_start3A_288 = tpu.memref_slice %arg2[%add3A_284, %dma_start3A_287] : memref<8192x1024xf32, #tpu.memory_space<hbm>> -> memref<32x1024xf32, #tpu.memory_space<hbm>>
    tpu.enqueue_dma source(%dma_start3A_288 : memref<32x1024xf32, #tpu.memory_space<hbm>>) target(%arg5 : memref<32x1024xf32, #tpu.memory_space<vmem>>) target_semaphore(%arg7 : memref<!tpu.dma_semaphore, #tpu.memory_space<semaphore_mem>>)
    %add3A_289 = arith.constant 128 : i32
    %add3A_290 = arith.addi %mul3A_2, %add3A_289 : i32
    %dma_start3A_291 = arith.constant 0 : i32
    %dma_start3A_292 = arith.constant 0 : i32
    %dma_start3A_293 = tpu.memref_slice %arg3[%dma_start3A_291, %add3A_290, %dma_start3A_292] : memref<4x8192x1024xf32, #tpu.memory_space<hbm>> -> memref<1x32x1024xf32, #tpu.memory_space<hbm>>
    %dma_start3A_294 = tpu.memref_squeeze %dma_start3A_293 : memref<1x32x1024xf32, #tpu.memory_space<hbm>> -> memref<32x1024xf32, #tpu.memory_space<hbm>>
    %dma_start3A_295 = arith.constant 0 : i32
    %dma_start3A_296 = tpu.memref_slice %arg3[%dma_start3A_291, %add3A_290, %dma_start3A_295] : memref<4x8192x1024xf32, #tpu.memory_space<hbm>> -> memref<1x32x1024xf32, #tpu.memory_space<hbm>>
    %dma_start3A_297 = tpu.memref_squeeze %dma_start3A_296 : memref<1x32x1024xf32, #tpu.memory_space<hbm>> -> memref<32x1024xf32, #tpu.memory_space<hbm>>
    tpu.enqueue_dma source(%arg4 : memref<32x1024xf32, #tpu.memory_space<vmem>>) target(%dma_start3A_297 : memref<32x1024xf32, #tpu.memory_space<hbm>>) target_semaphore(%arg8 : memref<!tpu.dma_semaphore, #tpu.memory_space<semaphore_mem>>)
    %dma_start3A_298 = arith.constant 1 : i32
    %dma_start3A_299 = arith.constant 0 : i32
    %dma_start3A_300 = tpu.memref_slice %arg3[%dma_start3A_298, %add3A_290, %dma_start3A_299] : memref<4x8192x1024xf32, #tpu.memory_space<hbm>> -> memref<1x32x1024xf32, #tpu.memory_space<hbm>>
    %dma_start3A_301 = tpu.memref_squeeze %dma_start3A_300 : memref<1x32x1024xf32, #tpu.memory_space<hbm>> -> memref<32x1024xf32, #tpu.memory_space<hbm>>
    %dma_start3A_302 = arith.constant 0 : i32
    %dma_start3A_303 = tpu.memref_slice %arg3[%dma_start3A_298, %add3A_290, %dma_start3A_302] : memref<4x8192x1024xf32, #tpu.memory_space<hbm>> -> memref<1x32x1024xf32, #tpu.memory_space<hbm>>
    %dma_start3A_304 = tpu.memref_squeeze %dma_start3A_303 : memref<1x32x1024xf32, #tpu.memory_space<hbm>> -> memref<32x1024xf32, #tpu.memory_space<hbm>>
    tpu.enqueue_dma source(%arg4 : memref<32x1024xf32, #tpu.memory_space<vmem>>) target(%dma_start3A_304 : memref<32x1024xf32, #tpu.memory_space<hbm>>) target_semaphore(%arg8 : memref<!tpu.dma_semaphore, #tpu.memory_space<semaphore_mem>>)
    %dma_start3A_305 = arith.constant 2 : i32
    %dma_start3A_306 = arith.constant 0 : i32
    %dma_start3A_307 = tpu.memref_slice %arg3[%dma_start3A_305, %add3A_290, %dma_start3A_306] : memref<4x8192x1024xf32, #tpu.memory_space<hbm>> -> memref<1x32x1024xf32, #tpu.memory_space<hbm>>
    %dma_start3A_308 = tpu.memref_squeeze %dma_start3A_307 : memref<1x32x1024xf32, #tpu.memory_space<hbm>> -> memref<32x1024xf32, #tpu.memory_space<hbm>>
    %dma_start3A_309 = arith.constant 0 : i32
    %dma_start3A_310 = tpu.memref_slice %arg3[%dma_start3A_305, %add3A_290, %dma_start3A_309] : memref<4x8192x1024xf32, #tpu.memory_space<hbm>> -> memref<1x32x1024xf32, #tpu.memory_space<hbm>>
    %dma_start3A_311 = tpu.memref_squeeze %dma_start3A_310 : memref<1x32x1024xf32, #tpu.memory_space<hbm>> -> memref<32x1024xf32, #tpu.memory_space<hbm>>
    tpu.enqueue_dma source(%arg4 : memref<32x1024xf32, #tpu.memory_space<vmem>>) target(%dma_start3A_311 : memref<32x1024xf32, #tpu.memory_space<hbm>>) target_semaphore(%arg8 : memref<!tpu.dma_semaphore, #tpu.memory_space<semaphore_mem>>)
    %dma_start3A_312 = arith.constant 3 : i32
    %dma_start3A_313 = arith.constant 0 : i32
    %dma_start3A_314 = tpu.memref_slice %arg3[%dma_start3A_312, %add3A_290, %dma_start3A_313] : memref<4x8192x1024xf32, #tpu.memory_space<hbm>> -> memref<1x32x1024xf32, #tpu.memory_space<hbm>>
    %dma_start3A_315 = tpu.memref_squeeze %dma_start3A_314 : memref<1x32x1024xf32, #tpu.memory_space<hbm>> -> memref<32x1024xf32, #tpu.memory_space<hbm>>
    %dma_start3A_316 = arith.constant 0 : i32
    %dma_start3A_317 = tpu.memref_slice %arg3[%dma_start3A_312, %add3A_290, %dma_start3A_316] : memref<4x8192x1024xf32, #tpu.memory_space<hbm>> -> memref<1x32x1024xf32, #tpu.memory_space<hbm>>
    %dma_start3A_318 = tpu.memref_squeeze %dma_start3A_317 : memref<1x32x1024xf32, #tpu.memory_space<hbm>> -> memref<32x1024xf32, #tpu.memory_space<hbm>>
    tpu.enqueue_dma source(%arg4 : memref<32x1024xf32, #tpu.memory_space<vmem>>) target(%dma_start3A_318 : memref<32x1024xf32, #tpu.memory_space<hbm>>) target_semaphore(%arg8 : memref<!tpu.dma_semaphore, #tpu.memory_space<semaphore_mem>>)
    %dma_wait3A_319 = arith.constant 0 : i32
    %dma_wait3A_320 = tpu.memref_slice %arg2[%add3A_284, %dma_wait3A_319] : memref<8192x1024xf32, #tpu.memory_space<hbm>> -> memref<32x1024xf32, #tpu.memory_space<hbm>>
    %dma_wait3A_321 = arith.constant 0 : i32
    %dma_wait3A_322 = tpu.memref_slice %arg2[%add3A_284, %dma_wait3A_321] : memref<8192x1024xf32, #tpu.memory_space<hbm>> -> memref<32x1024xf32, #tpu.memory_space<hbm>>
    tpu.wait_dma2 semaphore(%arg7 : memref<!tpu.dma_semaphore, #tpu.memory_space<semaphore_mem>>) src(%dma_wait3A_322 : memref<32x1024xf32, #tpu.memory_space<hbm>>) dst(%arg5 : memref<32x1024xf32, #tpu.memory_space<vmem>>)
    %dma_wait3A_323 = arith.constant 0 : i32
    %dma_wait3A_324 = arith.constant 0 : i32
    %dma_wait3A_325 = tpu.memref_slice %arg3[%dma_wait3A_323, %add3A_290, %dma_wait3A_324] : memref<4x8192x1024xf32, #tpu.memory_space<hbm>> -> memref<1x32x1024xf32, #tpu.memory_space<hbm>>
    %dma_wait3A_326 = tpu.memref_squeeze %dma_wait3A_325 : memref<1x32x1024xf32, #tpu.memory_space<hbm>> -> memref<32x1024xf32, #tpu.memory_space<hbm>>
    %dma_wait3A_327 = arith.constant 0 : i32
    %dma_wait3A_328 = tpu.memref_slice %arg3[%dma_wait3A_323, %add3A_290, %dma_wait3A_327] : memref<4x8192x1024xf32, #tpu.memory_space<hbm>> -> memref<1x32x1024xf32, #tpu.memory_space<hbm>>
    %dma_wait3A_329 = tpu.memref_squeeze %dma_wait3A_328 : memref<1x32x1024xf32, #tpu.memory_space<hbm>> -> memref<32x1024xf32, #tpu.memory_space<hbm>>
    tpu.wait_dma2 semaphore(%arg8 : memref<!tpu.dma_semaphore, #tpu.memory_space<semaphore_mem>>) src(%arg4 : memref<32x1024xf32, #tpu.memory_space<vmem>>) dst(%dma_wait3A_329 : memref<32x1024xf32, #tpu.memory_space<hbm>>)
    %dma_wait3A_330 = arith.constant 1 : i32
    %dma_wait3A_331 = arith.constant 0 : i32
    %dma_wait3A_332 = tpu.memref_slice %arg3[%dma_wait3A_330, %add3A_290, %dma_wait3A_331] : memref<4x8192x1024xf32, #tpu.memory_space<hbm>> -> memref<1x32x1024xf32, #tpu.memory_space<hbm>>
    %dma_wait3A_333 = tpu.memref_squeeze %dma_wait3A_332 : memref<1x32x1024xf32, #tpu.memory_space<hbm>> -> memref<32x1024xf32, #tpu.memory_space<hbm>>
    %dma_wait3A_334 = arith.constant 0 : i32
    %dma_wait3A_335 = tpu.memref_slice %arg3[%dma_wait3A_330, %add3A_290, %dma_wait3A_334] : memref<4x8192x1024xf32, #tpu.memory_space<hbm>> -> memref<1x32x1024xf32, #tpu.memory_space<hbm>>
    %dma_wait3A_336 = tpu.memref_squeeze %dma_wait3A_335 : memref<1x32x1024xf32, #tpu.memory_space<hbm>> -> memref<32x1024xf32, #tpu.memory_space<hbm>>
    tpu.wait_dma2 semaphore(%arg8 : memref<!tpu.dma_semaphore, #tpu.memory_space<semaphore_mem>>) src(%arg4 : memref<32x1024xf32, #tpu.memory_space<vmem>>) dst(%dma_wait3A_336 : memref<32x1024xf32, #tpu.memory_space<hbm>>)
    %dma_wait3A_337 = arith.constant 2 : i32
    %dma_wait3A_338 = arith.constant 0 : i32
    %dma_wait3A_339 = tpu.memref_slice %arg3[%dma_wait3A_337, %add3A_290, %dma_wait3A_338] : memref<4x8192x1024xf32, #tpu.memory_space<hbm>> -> memref<1x32x1024xf32, #tpu.memory_space<hbm>>
    %dma_wait3A_340 = tpu.memref_squeeze %dma_wait3A_339 : memref<1x32x1024xf32, #tpu.memory_space<hbm>> -> memref<32x1024xf32, #tpu.memory_space<hbm>>
    %dma_wait3A_341 = arith.constant 0 : i32
    %dma_wait3A_342 = tpu.memref_slice %arg3[%dma_wait3A_337, %add3A_290, %dma_wait3A_341] : memref<4x8192x1024xf32, #tpu.memory_space<hbm>> -> memref<1x32x1024xf32, #tpu.memory_space<hbm>>
    %dma_wait3A_343 = tpu.memref_squeeze %dma_wait3A_342 : memref<1x32x1024xf32, #tpu.memory_space<hbm>> -> memref<32x1024xf32, #tpu.memory_space<hbm>>
    tpu.wait_dma2 semaphore(%arg8 : memref<!tpu.dma_semaphore, #tpu.memory_space<semaphore_mem>>) src(%arg4 : memref<32x1024xf32, #tpu.memory_space<vmem>>) dst(%dma_wait3A_343 : memref<32x1024xf32, #tpu.memory_space<hbm>>)
    %dma_wait3A_344 = arith.constant 3 : i32
    %dma_wait3A_345 = arith.constant 0 : i32
    %dma_wait3A_346 = tpu.memref_slice %arg3[%dma_wait3A_344, %add3A_290, %dma_wait3A_345] : memref<4x8192x1024xf32, #tpu.memory_space<hbm>> -> memref<1x32x1024xf32, #tpu.memory_space<hbm>>
    %dma_wait3A_347 = tpu.memref_squeeze %dma_wait3A_346 : memref<1x32x1024xf32, #tpu.memory_space<hbm>> -> memref<32x1024xf32, #tpu.memory_space<hbm>>
    %dma_wait3A_348 = arith.constant 0 : i32
    %dma_wait3A_349 = tpu.memref_slice %arg3[%dma_wait3A_344, %add3A_290, %dma_wait3A_348] : memref<4x8192x1024xf32, #tpu.memory_space<hbm>> -> memref<1x32x1024xf32, #tpu.memory_space<hbm>>
    %dma_wait3A_350 = tpu.memref_squeeze %dma_wait3A_349 : memref<1x32x1024xf32, #tpu.memory_space<hbm>> -> memref<32x1024xf32, #tpu.memory_space<hbm>>
    tpu.wait_dma2 semaphore(%arg8 : memref<!tpu.dma_semaphore, #tpu.memory_space<semaphore_mem>>) src(%arg4 : memref<32x1024xf32, #tpu.memory_space<vmem>>) dst(%dma_wait3A_350 : memref<32x1024xf32, #tpu.memory_space<hbm>>)
    %add3A_351 = arith.constant 192 : i32
    %add3A_352 = arith.addi %mul3A_2, %add3A_351 : i32
    %dma_start3A_353 = arith.constant 0 : i32
    %dma_start3A_354 = tpu.memref_slice %arg2[%add3A_352, %dma_start3A_353] : memref<8192x1024xf32, #tpu.memory_space<hbm>> -> memref<32x1024xf32, #tpu.memory_space<hbm>>
    %dma_start3A_355 = arith.constant 0 : i32
    %dma_start3A_356 = tpu.memref_slice %arg2[%add3A_352, %dma_start3A_355] : memref<8192x1024xf32, #tpu.memory_space<hbm>> -> memref<32x1024xf32, #tpu.memory_space<hbm>>
    tpu.enqueue_dma source(%dma_start3A_356 : memref<32x1024xf32, #tpu.memory_space<hbm>>) target(%arg4 : memref<32x1024xf32, #tpu.memory_space<vmem>>) target_semaphore(%arg6 : memref<!tpu.dma_semaphore, #tpu.memory_space<semaphore_mem>>)
    %add3A_357 = arith.constant 160 : i32
    %add3A_358 = arith.addi %mul3A_2, %add3A_357 : i32
    %dma_start3A_359 = arith.constant 0 : i32
    %dma_start3A_360 = arith.constant 0 : i32
    %dma_start3A_361 = tpu.memref_slice %arg3[%dma_start3A_359, %add3A_358, %dma_start3A_360] : memref<4x8192x1024xf32, #tpu.memory_space<hbm>> -> memref<1x32x1024xf32, #tpu.memory_space<hbm>>
    %dma_start3A_362 = tpu.memref_squeeze %dma_start3A_361 : memref<1x32x1024xf32, #tpu.memory_space<hbm>> -> memref<32x1024xf32, #tpu.memory_space<hbm>>
    %dma_start3A_363 = arith.constant 0 : i32
    %dma_start3A_364 = tpu.memref_slice %arg3[%dma_start3A_359, %add3A_358, %dma_start3A_363] : memref<4x8192x1024xf32, #tpu.memory_space<hbm>> -> memref<1x32x1024xf32, #tpu.memory_space<hbm>>
    %dma_start3A_365 = tpu.memref_squeeze %dma_start3A_364 : memref<1x32x1024xf32, #tpu.memory_space<hbm>> -> memref<32x1024xf32, #tpu.memory_space<hbm>>
    tpu.enqueue_dma source(%arg5 : memref<32x1024xf32, #tpu.memory_space<vmem>>) target(%dma_start3A_365 : memref<32x1024xf32, #tpu.memory_space<hbm>>) target_semaphore(%arg9 : memref<!tpu.dma_semaphore, #tpu.memory_space<semaphore_mem>>)
    %dma_start3A_366 = arith.constant 1 : i32
    %dma_start3A_367 = arith.constant 0 : i32
    %dma_start3A_368 = tpu.memref_slice %arg3[%dma_start3A_366, %add3A_358, %dma_start3A_367] : memref<4x8192x1024xf32, #tpu.memory_space<hbm>> -> memref<1x32x1024xf32, #tpu.memory_space<hbm>>
    %dma_start3A_369 = tpu.memref_squeeze %dma_start3A_368 : memref<1x32x1024xf32, #tpu.memory_space<hbm>> -> memref<32x1024xf32, #tpu.memory_space<hbm>>
    %dma_start3A_370 = arith.constant 0 : i32
    %dma_start3A_371 = tpu.memref_slice %arg3[%dma_start3A_366, %add3A_358, %dma_start3A_370] : memref<4x8192x1024xf32, #tpu.memory_space<hbm>> -> memref<1x32x1024xf32, #tpu.memory_space<hbm>>
    %dma_start3A_372 = tpu.memref_squeeze %dma_start3A_371 : memref<1x32x1024xf32, #tpu.memory_space<hbm>> -> memref<32x1024xf32, #tpu.memory_space<hbm>>
    tpu.enqueue_dma source(%arg5 : memref<32x1024xf32, #tpu.memory_space<vmem>>) target(%dma_start3A_372 : memref<32x1024xf32, #tpu.memory_space<hbm>>) target_semaphore(%arg9 : memref<!tpu.dma_semaphore, #tpu.memory_space<semaphore_mem>>)
    %dma_start3A_373 = arith.constant 2 : i32
    %dma_start3A_374 = arith.constant 0 : i32
    %dma_start3A_375 = tpu.memref_slice %arg3[%dma_start3A_373, %add3A_358, %dma_start3A_374] : memref<4x8192x1024xf32, #tpu.memory_space<hbm>> -> memref<1x32x1024xf32, #tpu.memory_space<hbm>>
    %dma_start3A_376 = tpu.memref_squeeze %dma_start3A_375 : memref<1x32x1024xf32, #tpu.memory_space<hbm>> -> memref<32x1024xf32, #tpu.memory_space<hbm>>
    %dma_start3A_377 = arith.constant 0 : i32
    %dma_start3A_378 = tpu.memref_slice %arg3[%dma_start3A_373, %add3A_358, %dma_start3A_377] : memref<4x8192x1024xf32, #tpu.memory_space<hbm>> -> memref<1x32x1024xf32, #tpu.memory_space<hbm>>
    %dma_start3A_379 = tpu.memref_squeeze %dma_start3A_378 : memref<1x32x1024xf32, #tpu.memory_space<hbm>> -> memref<32x1024xf32, #tpu.memory_space<hbm>>
    tpu.enqueue_dma source(%arg5 : memref<32x1024xf32, #tpu.memory_space<vmem>>) target(%dma_start3A_379 : memref<32x1024xf32, #tpu.memory_space<hbm>>) target_semaphore(%arg9 : memref<!tpu.dma_semaphore, #tpu.memory_space<semaphore_mem>>)
    %dma_start3A_380 = arith.constant 3 : i32
    %dma_start3A_381 = arith.constant 0 : i32
    %dma_start3A_382 = tpu.memref_slice %arg3[%dma_start3A_380, %add3A_358, %dma_start3A_381] : memref<4x8192x1024xf32, #tpu.memory_space<hbm>> -> memref<1x32x1024xf32, #tpu.memory_space<hbm>>
    %dma_start3A_383 = tpu.memref_squeeze %dma_start3A_382 : memref<1x32x1024xf32, #tpu.memory_space<hbm>> -> memref<32x1024xf32, #tpu.memory_space<hbm>>
    %dma_start3A_384 = arith.constant 0 : i32
    %dma_start3A_385 = tpu.memref_slice %arg3[%dma_start3A_380, %add3A_358, %dma_start3A_384] : memref<4x8192x1024xf32, #tpu.memory_space<hbm>> -> memref<1x32x1024xf32, #tpu.memory_space<hbm>>
    %dma_start3A_386 = tpu.memref_squeeze %dma_start3A_385 : memref<1x32x1024xf32, #tpu.memory_space<hbm>> -> memref<32x1024xf32, #tpu.memory_space<hbm>>
    tpu.enqueue_dma source(%arg5 : memref<32x1024xf32, #tpu.memory_space<vmem>>) target(%dma_start3A_386 : memref<32x1024xf32, #tpu.memory_space<hbm>>) target_semaphore(%arg9 : memref<!tpu.dma_semaphore, #tpu.memory_space<semaphore_mem>>)
    %dma_wait3A_387 = arith.constant 0 : i32
    %dma_wait3A_388 = tpu.memref_slice %arg2[%add3A_352, %dma_wait3A_387] : memref<8192x1024xf32, #tpu.memory_space<hbm>> -> memref<32x1024xf32, #tpu.memory_space<hbm>>
    %dma_wait3A_389 = arith.constant 0 : i32
    %dma_wait3A_390 = tpu.memref_slice %arg2[%add3A_352, %dma_wait3A_389] : memref<8192x1024xf32, #tpu.memory_space<hbm>> -> memref<32x1024xf32, #tpu.memory_space<hbm>>
    tpu.wait_dma2 semaphore(%arg6 : memref<!tpu.dma_semaphore, #tpu.memory_space<semaphore_mem>>) src(%dma_wait3A_390 : memref<32x1024xf32, #tpu.memory_space<hbm>>) dst(%arg4 : memref<32x1024xf32, #tpu.memory_space<vmem>>)
    %dma_wait3A_391 = arith.constant 0 : i32
    %dma_wait3A_392 = arith.constant 0 : i32
    %dma_wait3A_393 = tpu.memref_slice %arg3[%dma_wait3A_391, %add3A_358, %dma_wait3A_392] : memref<4x8192x1024xf32, #tpu.memory_space<hbm>> -> memref<1x32x1024xf32, #tpu.memory_space<hbm>>
    %dma_wait3A_394 = tpu.memref_squeeze %dma_wait3A_393 : memref<1x32x1024xf32, #tpu.memory_space<hbm>> -> memref<32x1024xf32, #tpu.memory_space<hbm>>
    %dma_wait3A_395 = arith.constant 0 : i32
    %dma_wait3A_396 = tpu.memref_slice %arg3[%dma_wait3A_391, %add3A_358, %dma_wait3A_395] : memref<4x8192x1024xf32, #tpu.memory_space<hbm>> -> memref<1x32x1024xf32, #tpu.memory_space<hbm>>
    %dma_wait3A_397 = tpu.memref_squeeze %dma_wait3A_396 : memref<1x32x1024xf32, #tpu.memory_space<hbm>> -> memref<32x1024xf32, #tpu.memory_space<hbm>>
    tpu.wait_dma2 semaphore(%arg9 : memref<!tpu.dma_semaphore, #tpu.memory_space<semaphore_mem>>) src(%arg5 : memref<32x1024xf32, #tpu.memory_space<vmem>>) dst(%dma_wait3A_397 : memref<32x1024xf32, #tpu.memory_space<hbm>>)
    %dma_wait3A_398 = arith.constant 1 : i32
    %dma_wait3A_399 = arith.constant 0 : i32
    %dma_wait3A_400 = tpu.memref_slice %arg3[%dma_wait3A_398, %add3A_358, %dma_wait3A_399] : memref<4x8192x1024xf32, #tpu.memory_space<hbm>> -> memref<1x32x1024xf32, #tpu.memory_space<hbm>>
    %dma_wait3A_401 = tpu.memref_squeeze %dma_wait3A_400 : memref<1x32x1024xf32, #tpu.memory_space<hbm>> -> memref<32x1024xf32, #tpu.memory_space<hbm>>
    %dma_wait3A_402 = arith.constant 0 : i32
    %dma_wait3A_403 = tpu.memref_slice %arg3[%dma_wait3A_398, %add3A_358, %dma_wait3A_402] : memref<4x8192x1024xf32, #tpu.memory_space<hbm>> -> memref<1x32x1024xf32, #tpu.memory_space<hbm>>
    %dma_wait3A_404 = tpu.memref_squeeze %dma_wait3A_403 : memref<1x32x1024xf32, #tpu.memory_space<hbm>> -> memref<32x1024xf32, #tpu.memory_space<hbm>>
    tpu.wait_dma2 semaphore(%arg9 : memref<!tpu.dma_semaphore, #tpu.memory_space<semaphore_mem>>) src(%arg5 : memref<32x1024xf32, #tpu.memory_space<vmem>>) dst(%dma_wait3A_404 : memref<32x1024xf32, #tpu.memory_space<hbm>>)
    %dma_wait3A_405 = arith.constant 2 : i32
    %dma_wait3A_406 = arith.constant 0 : i32
    %dma_wait3A_407 = tpu.memref_slice %arg3[%dma_wait3A_405, %add3A_358, %dma_wait3A_406] : memref<4x8192x1024xf32, #tpu.memory_space<hbm>> -> memref<1x32x1024xf32, #tpu.memory_space<hbm>>
    %dma_wait3A_408 = tpu.memref_squeeze %dma_wait3A_407 : memref<1x32x1024xf32, #tpu.memory_space<hbm>> -> memref<32x1024xf32, #tpu.memory_space<hbm>>
    %dma_wait3A_409 = arith.constant 0 : i32
    %dma_wait3A_410 = tpu.memref_slice %arg3[%dma_wait3A_405, %add3A_358, %dma_wait3A_409] : memref<4x8192x1024xf32, #tpu.memory_space<hbm>> -> memref<1x32x1024xf32, #tpu.memory_space<hbm>>
    %dma_wait3A_411 = tpu.memref_squeeze %dma_wait3A_410 : memref<1x32x1024xf32, #tpu.memory_space<hbm>> -> memref<32x1024xf32, #tpu.memory_space<hbm>>
    tpu.wait_dma2 semaphore(%arg9 : memref<!tpu.dma_semaphore, #tpu.memory_space<semaphore_mem>>) src(%arg5 : memref<32x1024xf32, #tpu.memory_space<vmem>>) dst(%dma_wait3A_411 : memref<32x1024xf32, #tpu.memory_space<hbm>>)
    %dma_wait3A_412 = arith.constant 3 : i32
    %dma_wait3A_413 = arith.constant 0 : i32
    %dma_wait3A_414 = tpu.memref_slice %arg3[%dma_wait3A_412, %add3A_358, %dma_wait3A_413] : memref<4x8192x1024xf32, #tpu.memory_space<hbm>> -> memref<1x32x1024xf32, #tpu.memory_space<hbm>>
    %dma_wait3A_415 = tpu.memref_squeeze %dma_wait3A_414 : memref<1x32x1024xf32, #tpu.memory_space<hbm>> -> memref<32x1024xf32, #tpu.memory_space<hbm>>
    %dma_wait3A_416 = arith.constant 0 : i32
    %dma_wait3A_417 = tpu.memref_slice %arg3[%dma_wait3A_412, %add3A_358, %dma_wait3A_416] : memref<4x8192x1024xf32, #tpu.memory_space<hbm>> -> memref<1x32x1024xf32, #tpu.memory_space<hbm>>
    %dma_wait3A_418 = tpu.memref_squeeze %dma_wait3A_417 : memref<1x32x1024xf32, #tpu.memory_space<hbm>> -> memref<32x1024xf32, #tpu.memory_space<hbm>>
    tpu.wait_dma2 semaphore(%arg9 : memref<!tpu.dma_semaphore, #tpu.memory_space<semaphore_mem>>) src(%arg5 : memref<32x1024xf32, #tpu.memory_space<vmem>>) dst(%dma_wait3A_418 : memref<32x1024xf32, #tpu.memory_space<hbm>>)
    %add3A_419 = arith.constant 224 : i32
    %add3A_420 = arith.addi %mul3A_2, %add3A_419 : i32
    %dma_start3A_421 = arith.constant 0 : i32
    %dma_start3A_422 = tpu.memref_slice %arg2[%add3A_420, %dma_start3A_421] : memref<8192x1024xf32, #tpu.memory_space<hbm>> -> memref<32x1024xf32, #tpu.memory_space<hbm>>
    %dma_start3A_423 = arith.constant 0 : i32
    %dma_start3A_424 = tpu.memref_slice %arg2[%add3A_420, %dma_start3A_423] : memref<8192x1024xf32, #tpu.memory_space<hbm>> -> memref<32x1024xf32, #tpu.memory_space<hbm>>
    tpu.enqueue_dma source(%dma_start3A_424 : memref<32x1024xf32, #tpu.memory_space<hbm>>) target(%arg5 : memref<32x1024xf32, #tpu.memory_space<vmem>>) target_semaphore(%arg7 : memref<!tpu.dma_semaphore, #tpu.memory_space<semaphore_mem>>)
    %add3A_425 = arith.constant 192 : i32
    %add3A_426 = arith.addi %mul3A_2, %add3A_425 : i32
    %dma_start3A_427 = arith.constant 0 : i32
    %dma_start3A_428 = arith.constant 0 : i32
    %dma_start3A_429 = tpu.memref_slice %arg3[%dma_start3A_427, %add3A_426, %dma_start3A_428] : memref<4x8192x1024xf32, #tpu.memory_space<hbm>> -> memref<1x32x1024xf32, #tpu.memory_space<hbm>>
    %dma_start3A_430 = tpu.memref_squeeze %dma_start3A_429 : memref<1x32x1024xf32, #tpu.memory_space<hbm>> -> memref<32x1024xf32, #tpu.memory_space<hbm>>
    %dma_start3A_431 = arith.constant 0 : i32
    %dma_start3A_432 = tpu.memref_slice %arg3[%dma_start3A_427, %add3A_426, %dma_start3A_431] : memref<4x8192x1024xf32, #tpu.memory_space<hbm>> -> memref<1x32x1024xf32, #tpu.memory_space<hbm>>
    %dma_start3A_433 = tpu.memref_squeeze %dma_start3A_432 : memref<1x32x1024xf32, #tpu.memory_space<hbm>> -> memref<32x1024xf32, #tpu.memory_space<hbm>>
    tpu.enqueue_dma source(%arg4 : memref<32x1024xf32, #tpu.memory_space<vmem>>) target(%dma_start3A_433 : memref<32x1024xf32, #tpu.memory_space<hbm>>) target_semaphore(%arg8 : memref<!tpu.dma_semaphore, #tpu.memory_space<semaphore_mem>>)
    %dma_start3A_434 = arith.constant 1 : i32
    %dma_start3A_435 = arith.constant 0 : i32
    %dma_start3A_436 = tpu.memref_slice %arg3[%dma_start3A_434, %add3A_426, %dma_start3A_435] : memref<4x8192x1024xf32, #tpu.memory_space<hbm>> -> memref<1x32x1024xf32, #tpu.memory_space<hbm>>
    %dma_start3A_437 = tpu.memref_squeeze %dma_start3A_436 : memref<1x32x1024xf32, #tpu.memory_space<hbm>> -> memref<32x1024xf32, #tpu.memory_space<hbm>>
    %dma_start3A_438 = arith.constant 0 : i32
    %dma_start3A_439 = tpu.memref_slice %arg3[%dma_start3A_434, %add3A_426, %dma_start3A_438] : memref<4x8192x1024xf32, #tpu.memory_space<hbm>> -> memref<1x32x1024xf32, #tpu.memory_space<hbm>>
    %dma_start3A_440 = tpu.memref_squeeze %dma_start3A_439 : memref<1x32x1024xf32, #tpu.memory_space<hbm>> -> memref<32x1024xf32, #tpu.memory_space<hbm>>
    tpu.enqueue_dma source(%arg4 : memref<32x1024xf32, #tpu.memory_space<vmem>>) target(%dma_start3A_440 : memref<32x1024xf32, #tpu.memory_space<hbm>>) target_semaphore(%arg8 : memref<!tpu.dma_semaphore, #tpu.memory_space<semaphore_mem>>)
    %dma_start3A_441 = arith.constant 2 : i32
    %dma_start3A_442 = arith.constant 0 : i32
    %dma_start3A_443 = tpu.memref_slice %arg3[%dma_start3A_441, %add3A_426, %dma_start3A_442] : memref<4x8192x1024xf32, #tpu.memory_space<hbm>> -> memref<1x32x1024xf32, #tpu.memory_space<hbm>>
    %dma_start3A_444 = tpu.memref_squeeze %dma_start3A_443 : memref<1x32x1024xf32, #tpu.memory_space<hbm>> -> memref<32x1024xf32, #tpu.memory_space<hbm>>
    %dma_start3A_445 = arith.constant 0 : i32
    %dma_start3A_446 = tpu.memref_slice %arg3[%dma_start3A_441, %add3A_426, %dma_start3A_445] : memref<4x8192x1024xf32, #tpu.memory_space<hbm>> -> memref<1x32x1024xf32, #tpu.memory_space<hbm>>
    %dma_start3A_447 = tpu.memref_squeeze %dma_start3A_446 : memref<1x32x1024xf32, #tpu.memory_space<hbm>> -> memref<32x1024xf32, #tpu.memory_space<hbm>>
    tpu.enqueue_dma source(%arg4 : memref<32x1024xf32, #tpu.memory_space<vmem>>) target(%dma_start3A_447 : memref<32x1024xf32, #tpu.memory_space<hbm>>) target_semaphore(%arg8 : memref<!tpu.dma_semaphore, #tpu.memory_space<semaphore_mem>>)
    %dma_start3A_448 = arith.constant 3 : i32
    %dma_start3A_449 = arith.constant 0 : i32
    %dma_start3A_450 = tpu.memref_slice %arg3[%dma_start3A_448, %add3A_426, %dma_start3A_449] : memref<4x8192x1024xf32, #tpu.memory_space<hbm>> -> memref<1x32x1024xf32, #tpu.memory_space<hbm>>
    %dma_start3A_451 = tpu.memref_squeeze %dma_start3A_450 : memref<1x32x1024xf32, #tpu.memory_space<hbm>> -> memref<32x1024xf32, #tpu.memory_space<hbm>>
    %dma_start3A_452 = arith.constant 0 : i32
    %dma_start3A_453 = tpu.memref_slice %arg3[%dma_start3A_448, %add3A_426, %dma_start3A_452] : memref<4x8192x1024xf32, #tpu.memory_space<hbm>> -> memref<1x32x1024xf32, #tpu.memory_space<hbm>>
    %dma_start3A_454 = tpu.memref_squeeze %dma_start3A_453 : memref<1x32x1024xf32, #tpu.memory_space<hbm>> -> memref<32x1024xf32, #tpu.memory_space<hbm>>
    tpu.enqueue_dma source(%arg4 : memref<32x1024xf32, #tpu.memory_space<vmem>>) target(%dma_start3A_454 : memref<32x1024xf32, #tpu.memory_space<hbm>>) target_semaphore(%arg8 : memref<!tpu.dma_semaphore, #tpu.memory_space<semaphore_mem>>)
    %dma_wait3A_455 = arith.constant 0 : i32
    %dma_wait3A_456 = tpu.memref_slice %arg2[%add3A_420, %dma_wait3A_455] : memref<8192x1024xf32, #tpu.memory_space<hbm>> -> memref<32x1024xf32, #tpu.memory_space<hbm>>
    %dma_wait3A_457 = arith.constant 0 : i32
    %dma_wait3A_458 = tpu.memref_slice %arg2[%add3A_420, %dma_wait3A_457] : memref<8192x1024xf32, #tpu.memory_space<hbm>> -> memref<32x1024xf32, #tpu.memory_space<hbm>>
    tpu.wait_dma2 semaphore(%arg7 : memref<!tpu.dma_semaphore, #tpu.memory_space<semaphore_mem>>) src(%dma_wait3A_458 : memref<32x1024xf32, #tpu.memory_space<hbm>>) dst(%arg5 : memref<32x1024xf32, #tpu.memory_space<vmem>>)
    %add3A_459 = arith.constant 224 : i32
    %add3A_460 = arith.addi %mul3A_2, %add3A_459 : i32
    %dma_start3A_461 = arith.constant 0 : i32
    %dma_start3A_462 = arith.constant 0 : i32
    %dma_start3A_463 = tpu.memref_slice %arg3[%dma_start3A_461, %add3A_460, %dma_start3A_462] : memref<4x8192x1024xf32, #tpu.memory_space<hbm>> -> memref<1x32x1024xf32, #tpu.memory_space<hbm>>
    %dma_start3A_464 = tpu.memref_squeeze %dma_start3A_463 : memref<1x32x1024xf32, #tpu.memory_space<hbm>> -> memref<32x1024xf32, #tpu.memory_space<hbm>>
    %dma_start3A_465 = arith.constant 0 : i32
    %dma_start3A_466 = tpu.memref_slice %arg3[%dma_start3A_461, %add3A_460, %dma_start3A_465] : memref<4x8192x1024xf32, #tpu.memory_space<hbm>> -> memref<1x32x1024xf32, #tpu.memory_space<hbm>>
    %dma_start3A_467 = tpu.memref_squeeze %dma_start3A_466 : memref<1x32x1024xf32, #tpu.memory_space<hbm>> -> memref<32x1024xf32, #tpu.memory_space<hbm>>
    tpu.enqueue_dma source(%arg5 : memref<32x1024xf32, #tpu.memory_space<vmem>>) target(%dma_start3A_467 : memref<32x1024xf32, #tpu.memory_space<hbm>>) target_semaphore(%arg9 : memref<!tpu.dma_semaphore, #tpu.memory_space<semaphore_mem>>)
    %dma_start3A_468 = arith.constant 1 : i32
    %dma_start3A_469 = arith.constant 0 : i32
    %dma_start3A_470 = tpu.memref_slice %arg3[%dma_start3A_468, %add3A_460, %dma_start3A_469] : memref<4x8192x1024xf32, #tpu.memory_space<hbm>> -> memref<1x32x1024xf32, #tpu.memory_space<hbm>>
    %dma_start3A_471 = tpu.memref_squeeze %dma_start3A_470 : memref<1x32x1024xf32, #tpu.memory_space<hbm>> -> memref<32x1024xf32, #tpu.memory_space<hbm>>
    %dma_start3A_472 = arith.constant 0 : i32
    %dma_start3A_473 = tpu.memref_slice %arg3[%dma_start3A_468, %add3A_460, %dma_start3A_472] : memref<4x8192x1024xf32, #tpu.memory_space<hbm>> -> memref<1x32x1024xf32, #tpu.memory_space<hbm>>
    %dma_start3A_474 = tpu.memref_squeeze %dma_start3A_473 : memref<1x32x1024xf32, #tpu.memory_space<hbm>> -> memref<32x1024xf32, #tpu.memory_space<hbm>>
    tpu.enqueue_dma source(%arg5 : memref<32x1024xf32, #tpu.memory_space<vmem>>) target(%dma_start3A_474 : memref<32x1024xf32, #tpu.memory_space<hbm>>) target_semaphore(%arg9 : memref<!tpu.dma_semaphore, #tpu.memory_space<semaphore_mem>>)
    %dma_start3A_475 = arith.constant 2 : i32
    %dma_start3A_476 = arith.constant 0 : i32
    %dma_start3A_477 = tpu.memref_slice %arg3[%dma_start3A_475, %add3A_460, %dma_start3A_476] : memref<4x8192x1024xf32, #tpu.memory_space<hbm>> -> memref<1x32x1024xf32, #tpu.memory_space<hbm>>
    %dma_start3A_478 = tpu.memref_squeeze %dma_start3A_477 : memref<1x32x1024xf32, #tpu.memory_space<hbm>> -> memref<32x1024xf32, #tpu.memory_space<hbm>>
    %dma_start3A_479 = arith.constant 0 : i32
    %dma_start3A_480 = tpu.memref_slice %arg3[%dma_start3A_475, %add3A_460, %dma_start3A_479] : memref<4x8192x1024xf32, #tpu.memory_space<hbm>> -> memref<1x32x1024xf32, #tpu.memory_space<hbm>>
    %dma_start3A_481 = tpu.memref_squeeze %dma_start3A_480 : memref<1x32x1024xf32, #tpu.memory_space<hbm>> -> memref<32x1024xf32, #tpu.memory_space<hbm>>
    tpu.enqueue_dma source(%arg5 : memref<32x1024xf32, #tpu.memory_space<vmem>>) target(%dma_start3A_481 : memref<32x1024xf32, #tpu.memory_space<hbm>>) target_semaphore(%arg9 : memref<!tpu.dma_semaphore, #tpu.memory_space<semaphore_mem>>)
    %dma_start3A_482 = arith.constant 3 : i32
    %dma_start3A_483 = arith.constant 0 : i32
    %dma_start3A_484 = tpu.memref_slice %arg3[%dma_start3A_482, %add3A_460, %dma_start3A_483] : memref<4x8192x1024xf32, #tpu.memory_space<hbm>> -> memref<1x32x1024xf32, #tpu.memory_space<hbm>>
    %dma_start3A_485 = tpu.memref_squeeze %dma_start3A_484 : memref<1x32x1024xf32, #tpu.memory_space<hbm>> -> memref<32x1024xf32, #tpu.memory_space<hbm>>
    %dma_start3A_486 = arith.constant 0 : i32
    %dma_start3A_487 = tpu.memref_slice %arg3[%dma_start3A_482, %add3A_460, %dma_start3A_486] : memref<4x8192x1024xf32, #tpu.memory_space<hbm>> -> memref<1x32x1024xf32, #tpu.memory_space<hbm>>
    %dma_start3A_488 = tpu.memref_squeeze %dma_start3A_487 : memref<1x32x1024xf32, #tpu.memory_space<hbm>> -> memref<32x1024xf32, #tpu.memory_space<hbm>>
    tpu.enqueue_dma source(%arg5 : memref<32x1024xf32, #tpu.memory_space<vmem>>) target(%dma_start3A_488 : memref<32x1024xf32, #tpu.memory_space<hbm>>) target_semaphore(%arg9 : memref<!tpu.dma_semaphore, #tpu.memory_space<semaphore_mem>>)
    %dma_wait3A_489 = arith.constant 0 : i32
    %dma_wait3A_490 = arith.constant 0 : i32
    %dma_wait3A_491 = tpu.memref_slice %arg3[%dma_wait3A_489, %add3A_426, %dma_wait3A_490] : memref<4x8192x1024xf32, #tpu.memory_space<hbm>> -> memref<1x32x1024xf32, #tpu.memory_space<hbm>>
    %dma_wait3A_492 = tpu.memref_squeeze %dma_wait3A_491 : memref<1x32x1024xf32, #tpu.memory_space<hbm>> -> memref<32x1024xf32, #tpu.memory_space<hbm>>
    %dma_wait3A_493 = arith.constant 0 : i32
    %dma_wait3A_494 = tpu.memref_slice %arg3[%dma_wait3A_489, %add3A_426, %dma_wait3A_493] : memref<4x8192x1024xf32, #tpu.memory_space<hbm>> -> memref<1x32x1024xf32, #tpu.memory_space<hbm>>
    %dma_wait3A_495 = tpu.memref_squeeze %dma_wait3A_494 : memref<1x32x1024xf32, #tpu.memory_space<hbm>> -> memref<32x1024xf32, #tpu.memory_space<hbm>>
    tpu.wait_dma2 semaphore(%arg8 : memref<!tpu.dma_semaphore, #tpu.memory_space<semaphore_mem>>) src(%arg4 : memref<32x1024xf32, #tpu.memory_space<vmem>>) dst(%dma_wait3A_495 : memref<32x1024xf32, #tpu.memory_space<hbm>>)
    %dma_wait3A_496 = arith.constant 1 : i32
    %dma_wait3A_497 = arith.constant 0 : i32
    %dma_wait3A_498 = tpu.memref_slice %arg3[%dma_wait3A_496, %add3A_426, %dma_wait3A_497] : memref<4x8192x1024xf32, #tpu.memory_space<hbm>> -> memref<1x32x1024xf32, #tpu.memory_space<hbm>>
    %dma_wait3A_499 = tpu.memref_squeeze %dma_wait3A_498 : memref<1x32x1024xf32, #tpu.memory_space<hbm>> -> memref<32x1024xf32, #tpu.memory_space<hbm>>
    %dma_wait3A_500 = arith.constant 0 : i32
    %dma_wait3A_501 = tpu.memref_slice %arg3[%dma_wait3A_496, %add3A_426, %dma_wait3A_500] : memref<4x8192x1024xf32, #tpu.memory_space<hbm>> -> memref<1x32x1024xf32, #tpu.memory_space<hbm>>
    %dma_wait3A_502 = tpu.memref_squeeze %dma_wait3A_501 : memref<1x32x1024xf32, #tpu.memory_space<hbm>> -> memref<32x1024xf32, #tpu.memory_space<hbm>>
    tpu.wait_dma2 semaphore(%arg8 : memref<!tpu.dma_semaphore, #tpu.memory_space<semaphore_mem>>) src(%arg4 : memref<32x1024xf32, #tpu.memory_space<vmem>>) dst(%dma_wait3A_502 : memref<32x1024xf32, #tpu.memory_space<hbm>>)
    %dma_wait3A_503 = arith.constant 2 : i32
    %dma_wait3A_504 = arith.constant 0 : i32
    %dma_wait3A_505 = tpu.memref_slice %arg3[%dma_wait3A_503, %add3A_426, %dma_wait3A_504] : memref<4x8192x1024xf32, #tpu.memory_space<hbm>> -> memref<1x32x1024xf32, #tpu.memory_space<hbm>>
    %dma_wait3A_506 = tpu.memref_squeeze %dma_wait3A_505 : memref<1x32x1024xf32, #tpu.memory_space<hbm>> -> memref<32x1024xf32, #tpu.memory_space<hbm>>
    %dma_wait3A_507 = arith.constant 0 : i32
    %dma_wait3A_508 = tpu.memref_slice %arg3[%dma_wait3A_503, %add3A_426, %dma_wait3A_507] : memref<4x8192x1024xf32, #tpu.memory_space<hbm>> -> memref<1x32x1024xf32, #tpu.memory_space<hbm>>
    %dma_wait3A_509 = tpu.memref_squeeze %dma_wait3A_508 : memref<1x32x1024xf32, #tpu.memory_space<hbm>> -> memref<32x1024xf32, #tpu.memory_space<hbm>>
    tpu.wait_dma2 semaphore(%arg8 : memref<!tpu.dma_semaphore, #tpu.memory_space<semaphore_mem>>) src(%arg4 : memref<32x1024xf32, #tpu.memory_space<vmem>>) dst(%dma_wait3A_509 : memref<32x1024xf32, #tpu.memory_space<hbm>>)
    %dma_wait3A_510 = arith.constant 3 : i32
    %dma_wait3A_511 = arith.constant 0 : i32
    %dma_wait3A_512 = tpu.memref_slice %arg3[%dma_wait3A_510, %add3A_426, %dma_wait3A_511] : memref<4x8192x1024xf32, #tpu.memory_space<hbm>> -> memref<1x32x1024xf32, #tpu.memory_space<hbm>>
    %dma_wait3A_513 = tpu.memref_squeeze %dma_wait3A_512 : memref<1x32x1024xf32, #tpu.memory_space<hbm>> -> memref<32x1024xf32, #tpu.memory_space<hbm>>
    %dma_wait3A_514 = arith.constant 0 : i32
    %dma_wait3A_515 = tpu.memref_slice %arg3[%dma_wait3A_510, %add3A_426, %dma_wait3A_514] : memref<4x8192x1024xf32, #tpu.memory_space<hbm>> -> memref<1x32x1024xf32, #tpu.memory_space<hbm>>
    %dma_wait3A_516 = tpu.memref_squeeze %dma_wait3A_515 : memref<1x32x1024xf32, #tpu.memory_space<hbm>> -> memref<32x1024xf32, #tpu.memory_space<hbm>>
    tpu.wait_dma2 semaphore(%arg8 : memref<!tpu.dma_semaphore, #tpu.memory_space<semaphore_mem>>) src(%arg4 : memref<32x1024xf32, #tpu.memory_space<vmem>>) dst(%dma_wait3A_516 : memref<32x1024xf32, #tpu.memory_space<hbm>>)
    %dma_wait3A_517 = arith.constant 0 : i32
    %dma_wait3A_518 = arith.constant 0 : i32
    %dma_wait3A_519 = tpu.memref_slice %arg3[%dma_wait3A_517, %add3A_460, %dma_wait3A_518] : memref<4x8192x1024xf32, #tpu.memory_space<hbm>> -> memref<1x32x1024xf32, #tpu.memory_space<hbm>>
    %dma_wait3A_520 = tpu.memref_squeeze %dma_wait3A_519 : memref<1x32x1024xf32, #tpu.memory_space<hbm>> -> memref<32x1024xf32, #tpu.memory_space<hbm>>
    %dma_wait3A_521 = arith.constant 0 : i32
    %dma_wait3A_522 = tpu.memref_slice %arg3[%dma_wait3A_517, %add3A_460, %dma_wait3A_521] : memref<4x8192x1024xf32, #tpu.memory_space<hbm>> -> memref<1x32x1024xf32, #tpu.memory_space<hbm>>
    %dma_wait3A_523 = tpu.memref_squeeze %dma_wait3A_522 : memref<1x32x1024xf32, #tpu.memory_space<hbm>> -> memref<32x1024xf32, #tpu.memory_space<hbm>>
    tpu.wait_dma2 semaphore(%arg9 : memref<!tpu.dma_semaphore, #tpu.memory_space<semaphore_mem>>) src(%arg5 : memref<32x1024xf32, #tpu.memory_space<vmem>>) dst(%dma_wait3A_523 : memref<32x1024xf32, #tpu.memory_space<hbm>>)
    %dma_wait3A_524 = arith.constant 1 : i32
    %dma_wait3A_525 = arith.constant 0 : i32
    %dma_wait3A_526 = tpu.memref_slice %arg3[%dma_wait3A_524, %add3A_460, %dma_wait3A_525] : memref<4x8192x1024xf32, #tpu.memory_space<hbm>> -> memref<1x32x1024xf32, #tpu.memory_space<hbm>>
    %dma_wait3A_527 = tpu.memref_squeeze %dma_wait3A_526 : memref<1x32x1024xf32, #tpu.memory_space<hbm>> -> memref<32x1024xf32, #tpu.memory_space<hbm>>
    %dma_wait3A_528 = arith.constant 0 : i32
    %dma_wait3A_529 = tpu.memref_slice %arg3[%dma_wait3A_524, %add3A_460, %dma_wait3A_528] : memref<4x8192x1024xf32, #tpu.memory_space<hbm>> -> memref<1x32x1024xf32, #tpu.memory_space<hbm>>
    %dma_wait3A_530 = tpu.memref_squeeze %dma_wait3A_529 : memref<1x32x1024xf32, #tpu.memory_space<hbm>> -> memref<32x1024xf32, #tpu.memory_space<hbm>>
    tpu.wait_dma2 semaphore(%arg9 : memref<!tpu.dma_semaphore, #tpu.memory_space<semaphore_mem>>) src(%arg5 : memref<32x1024xf32, #tpu.memory_space<vmem>>) dst(%dma_wait3A_530 : memref<32x1024xf32, #tpu.memory_space<hbm>>)
    %dma_wait3A_531 = arith.constant 2 : i32
    %dma_wait3A_532 = arith.constant 0 : i32
    %dma_wait3A_533 = tpu.memref_slice %arg3[%dma_wait3A_531, %add3A_460, %dma_wait3A_532] : memref<4x8192x1024xf32, #tpu.memory_space<hbm>> -> memref<1x32x1024xf32, #tpu.memory_space<hbm>>
    %dma_wait3A_534 = tpu.memref_squeeze %dma_wait3A_533 : memref<1x32x1024xf32, #tpu.memory_space<hbm>> -> memref<32x1024xf32, #tpu.memory_space<hbm>>
    %dma_wait3A_535 = arith.constant 0 : i32
    %dma_wait3A_536 = tpu.memref_slice %arg3[%dma_wait3A_531, %add3A_460, %dma_wait3A_535] : memref<4x8192x1024xf32, #tpu.memory_space<hbm>> -> memref<1x32x1024xf32, #tpu.memory_space<hbm>>
    %dma_wait3A_537 = tpu.memref_squeeze %dma_wait3A_536 : memref<1x32x1024xf32, #tpu.memory_space<hbm>> -> memref<32x1024xf32, #tpu.memory_space<hbm>>
    tpu.wait_dma2 semaphore(%arg9 : memref<!tpu.dma_semaphore, #tpu.memory_space<semaphore_mem>>) src(%arg5 : memref<32x1024xf32, #tpu.memory_space<vmem>>) dst(%dma_wait3A_537 : memref<32x1024xf32, #tpu.memory_space<hbm>>)
    %dma_wait3A_538 = arith.constant 3 : i32
    %dma_wait3A_539 = arith.constant 0 : i32
    %dma_wait3A_540 = tpu.memref_slice %arg3[%dma_wait3A_538, %add3A_460, %dma_wait3A_539] : memref<4x8192x1024xf32, #tpu.memory_space<hbm>> -> memref<1x32x1024xf32, #tpu.memory_space<hbm>>
    %dma_wait3A_541 = tpu.memref_squeeze %dma_wait3A_540 : memref<1x32x1024xf32, #tpu.memory_space<hbm>> -> memref<32x1024xf32, #tpu.memory_space<hbm>>
    %dma_wait3A_542 = arith.constant 0 : i32
    %dma_wait3A_543 = tpu.memref_slice %arg3[%dma_wait3A_538, %add3A_460, %dma_wait3A_542] : memref<4x8192x1024xf32, #tpu.memory_space<hbm>> -> memref<1x32x1024xf32, #tpu.memory_space<hbm>>
    %dma_wait3A_544 = tpu.memref_squeeze %dma_wait3A_543 : memref<1x32x1024xf32, #tpu.memory_space<hbm>> -> memref<32x1024xf32, #tpu.memory_space<hbm>>
    tpu.wait_dma2 semaphore(%arg9 : memref<!tpu.dma_semaphore, #tpu.memory_space<semaphore_mem>>) src(%arg5 : memref<32x1024xf32, #tpu.memory_space<vmem>>) dst(%dma_wait3A_544 : memref<32x1024xf32, #tpu.memory_space<hbm>>)
    return
  }
}

module attributes {stable_mosaic.version = 14 : i64} {
  func.func @_tc_body(%arg0: i32, %arg1: memref<512x1024xf32, #tpu.memory_space<vmem>>, %arg2: memref<4x512x1024xf32, #tpu.memory_space<vmem>>) attributes {dimension_semantics = [#tpu.dimension_semantics<arbitrary>], iteration_bounds = array<i64: 16>, scalar_prefetch = 0 : i64, scratch_operands = 0 : i64, tpu.core_type = #tpu.core_type<tc>, window_params = [{transform_indices = @transform_0, window_bounds = array<i64: 512, 1024>}, {transform_indices = @transform_1, window_bounds = array<i64: 4, 512, 1024>}]} {
    %get3A = arith.constant 0 : index
    %get3A_0 = arith.constant 0 : index
    %get3A_1 = vector.load %arg1[%get3A, %get3A_0] : memref<512x1024xf32, #tpu.memory_space<vmem>>, vector<512x1024xf32>
    %broadcast_in_dim3A = vector.shape_cast %get3A_1 : vector<512x1024xf32> to vector<1x512x1024xf32>
    %broadcast_in_dim3A_2 = vector.shape_cast %broadcast_in_dim3A : vector<1x512x1024xf32> to vector<1x512x1024xf32>
    %broadcast_in_dim3A_3 = vector.broadcast %broadcast_in_dim3A_2 : vector<1x512x1024xf32> to vector<4x512x1024xf32>
    %swap3A = arith.constant 0 : index
    %swap3A_4 = arith.constant 0 : index
    %swap3A_5 = arith.constant 0 : index
    %swap3A_6 = vector.load %arg2[%swap3A, %swap3A_4, %swap3A_5] : memref<4x512x1024xf32, #tpu.memory_space<vmem>>, vector<4x512x1024xf32>
    tpu.vector_store %arg2[%swap3A, %swap3A_4, %swap3A_5], %broadcast_in_dim3A_3 {strides = array<i32>} : memref<4x512x1024xf32, #tpu.memory_space<vmem>>, vector<4x512x1024xf32>,
    return
  }
  func.func @transform_0(%arg0: i32) -> (i32, i32) {
    %c0_i32 = arith.constant 0 : i32
    %c0_i32_0 = arith.constant 0 : i32
    return %arg0, %c0_i32 : i32, i32
  }
  func.func @transform_1(%arg0: i32) -> (i32, i32, i32) {
    %c0_i32 = arith.constant 0 : i32
    %c0_i32_0 = arith.constant 0 : i32
    %c0_i32_1 = arith.constant 0 : i32
    return %c0_i32, %arg0, %c0_i32_0 : i32, i32, i32
  }
}

</mosaic_0001>

<sc_bundles>
// kernel: kernel.4.cloned.1.call-start
scs
__scs_entry_jumppad:
0x0: {  	(pc) =	sbr.rel $0x88, $3  }
0x1: {  	(tag) =	ssettag $0x0;
	lr =	simm.s32 $0x1  }
0x2: {  	[smem:$0x3F9F] =	sst lr;
	_ =	strace $0xD0000000  }
0x3: {  	_ = 	snop  }
0x4: {  	_ = 	snop  }
0x5: {  	_ = 	snop  }
0x6: {  	_ = 	snop  }
0x7: {  	_ = 	snop  }
__scs_overlays_trampoline_lowered:
0x8: {  	[smem:$0x3FAE] =	sst s0  }
0x9: {  	[smem:$0x3FAF] =	sst s1  }
0xa: {  	[smem:$0x3FB0] =	sst s2  }
0xb: {  	[smem:$0x3FB1] =	sst s3  }
0xc: {  	[smem:$0x3FB2] =	sst s4  }
0xd: {  	[smem:$0x3FB3] =	sst s5  }
0xe: {  	[smem:$0x3FB4] =	sst s6  }
0xf: {  	[smem:$0x3FB5] =	sst s7  }
0x10: {  	[smem:$0x3FB6] =	sst s8  }
0x11: {  	[smem:$0x3FB7] =	sst s9;
	s0 =	simm.s32 @!p0 $0x0  }
0x12: {  	s1 =	sld [smem:$0x3F9D];
	s0 =	simm.s32 @p0 $0x1  }
0x13: {  	[smem:$0x3FB8] =	sst s0;
	s0 =	simm.s32 @!p1 $0x0  }
0x14: {  	s2 =	sld [smem:$0x3F9C];
	s0 =	simm.s32 @p1 $0x1  }
0x15: {  	[smem:$0x3FB9] =	sst s0;
	s0 =	simm.s32 @!p2 $0x0  }
0x16: {  	s3 =	sld [smem:$0x3FDB];
	s0 =	simm.s32 @p2 $0x1  }
0x17: {  	s4 =	simm.s32 $0x1BF5;
	[smem:$0x3FBB] =	sst s0  }
0x18: {  	s0 =	sld [smem:$0x3F9E];
	_ =	swait.ge [sflag:s4], $0x0  }
0x19: {  	s7 =	sld [smem:$0x3F9F]  }
0x1a: {  	s8 =	sadd.s32 $0xFFFFE003, lr  }
0x1b: {  	s9 =	sadd.s32 $0xFFFFFEF7, lr;
	s5 =	simm.s32 $0xFFFFFFFF;
	p2 =	slt.u32 s8, $0xFFFFF086  }
0x1c: {  	p1 =	slt.u32 s9, $0xF7A;
	s5 =	simm.s32 @!p2 $0x0  }
0x1d: {  	s5 =	simm.s32 @p1 $0x1;
	p0 =	seq.s32 s7, s2  }
0x1e: {  	s7 =	smul.u32 @!p0 $0xF7A, s2;
	p2 =	seq.s32 @!p0 s5, $0x0  }
0x1f: {  	s9 =	smul.u32 $0xF7A, s1;
	s8 =	simm.s32 @!p0 $0x1BF5;
	p2 =	por !p2, p0  }
0x20: {  	[sflag:s8] =	ssyncset.s32 @!p0 $0xFFFFF086;
	s6 =	sadd.s32 @!p0 s3, s7;
	s7 =	simm.s32 @!p0 $0x108  }
0x21: {  	s3 =	sadd.s32 s3, s9;
	s6 =	sadd.s32 @!p0 $0x88, s6;
	s7 =	simm.s32 @p2 $0x1082  }
0x22: {  	[simem:s7], [sflag:s8] =	dma.local @!p0 [hbm:s6], $0xF7A  }
0x23: {  	s9 =	sor.u32 $0xD0000000, s2;
	s6 =	simm.s32 $0x108;
	_ =	swait.ge @!p0 [sflag:s8], $0x0  }
0x24: {  	s3 =	sadd.s32 $0x88, s3;
	s6 =	simm.s32 @!p1 $0x1082;
	[sflag:s4] =	ssyncset.s32 $0xFFFFF086  }
0x25: {  	[simem:s6], [sflag:s4] =	dma.local [hbm:s3], $0xF7A  }
0x26: {  	[smem:$0x3F9F] =	sst s1;
	(tag) =	ssettag s2;
	_ =	strace s9  }
0x27: {  	s1 =	sld [smem:$0x3FAF]  }
0x28: {  	s2 =	sld [smem:$0x3FB0]  }
0x29: {  	s4 =	sld [smem:$0x3FB2]  }
0x2a: {  	p0 =	seq.s32 s5, $0x0;
	s5 =	sld [smem:$0x3FB3]  }
0x2b: {  	s6 =	sld [smem:$0x3FB4]  }
0x2c: {  	s7 =	sld [smem:$0x3FB5]  }
0x2d: {  	s3 =	simm.s32 $0x108;
	s8 =	sld [smem:$0x3FB6]  }
0x2e: {  	s3 =	simm.s32 @!p0 $0x1082;
	s9 =	sld [smem:$0x3FB7]  }
0x2f: {  	lr =	sadd.s32 s0, s3;
	s0 =	sld [smem:$0x3FAE]  }
0x30: {  	s3 =	sld [smem:$0x3FB1]  }
0x31: {  	[smem:$0x3FBA] =	sst s10  }
0x32: {  	s10 =	sld [smem:$0x3FB8];
	_ =	sdelay $0x3  }
0x33: {  	p0 =	seq.s32 s10, $0x1;
	s10 =	sld [smem:$0x3FBA];
	_ =	sdelay $0x3  }
0x34: {  	[smem:$0x3FBA] =	sst s10  }
0x35: {  	s10 =	sld [smem:$0x3FB9];
	_ =	sdelay $0x3  }
0x36: {  	p1 =	seq.s32 s10, $0x1;
	s10 =	sld [smem:$0x3FBA];
	_ =	sdelay $0x3  }
0x37: {  	[smem:$0x3FBA] =	sst s10  }
0x38: {  	s10 =	sld [smem:$0x3FBB]  }
0x39: {  	_ = 	snop;
	(pc) =	sbr.ind lr, $3  }
0x3a: {  	_ = 	snop  }
0x3b: {  	_ = 	snop  }
0x3c: {  	p2 =	seq.s32 s10, $0x1;
	s10 =	sld [smem:$0x3FBA]  }
0x3d: {  	_ =	shalt  }
0x3e: {  	_ =	shalt  }
0x3f: {  	_ =	shalt  }
0x40: {  	_ =	shalt  }
0x41: {  	_ =	shalt  }
0x42: {  	_ =	shalt  }
0x43: {  	_ =	shalt  }
0x44: {  	_ =	shalt  }
0x45: {  	_ =	shalt  }
0x46: {  	_ =	shalt  }
0x47: {  	_ =	shalt  }
0x48: {  	_ =	shalt  }
0x49: {  	_ =	shalt  }
0x4a: {  	_ =	shalt  }
0x4b: {  	_ =	shalt  }
0x4c: {  	_ =	shalt  }
0x4d: {  	_ =	shalt  }
0x4e: {  	_ =	shalt  }
0x4f: {  	_ =	shalt  }
0x50: {  	_ =	shalt  }
0x51: {  	_ =	shalt  }
0x52: {  	_ =	shalt  }
0x53: {  	_ =	shalt  }
0x54: {  	_ =	shalt  }
0x55: {  	_ =	shalt  }
0x56: {  	_ =	shalt  }
0x57: {  	_ =	shalt  }
0x58: {  	_ =	shalt  }
0x59: {  	_ =	shalt  }
0x5a: {  	_ =	shalt  }
0x5b: {  	_ =	shalt  }
0x5c: {  	_ =	shalt  }
0x5d: {  	_ =	shalt  }
0x5e: {  	_ =	shalt  }
0x5f: {  	_ =	shalt  }
0x60: {  	_ =	shalt  }
0x61: {  	_ =	shalt  }
0x62: {  	_ =	shalt  }
0x63: {  	_ =	shalt  }
0x64: {  	_ =	shalt  }
0x65: {  	_ =	shalt  }
0x66: {  	_ =	shalt  }
0x67: {  	_ =	shalt  }
0x68: {  	_ =	shalt  }
0x69: {  	_ =	shalt  }
0x6a: {  	_ =	shalt  }
0x6b: {  	_ =	shalt  }
0x6c: {  	_ =	shalt  }
0x6d: {  	_ =	shalt  }
0x6e: {  	_ =	shalt  }
0x6f: {  	_ =	shalt  }
0x70: {  	_ =	shalt  }
0x71: {  	_ =	shalt  }
0x72: {  	_ =	shalt  }
0x73: {  	_ =	shalt  }
0x74: {  	_ =	shalt  }
0x75: {  	_ =	shalt  }
0x76: {  	_ =	shalt  }
0x77: {  	_ =	shalt  }
0x78: {  	_ =	shalt  }
0x79: {  	_ =	shalt  }
0x7a: {  	_ =	shalt  }
0x7b: {  	_ =	shalt  }
0x7c: {  	_ =	shalt  }
0x7d: {  	_ =	shalt  }
0x7e: {  	_ =	shalt  }
0x7f: {  	_ =	shalt  }
0x80: {  	_ =	shalt  }
0x81: {  	_ =	shalt  }
0x82: {  	_ =	shalt  }
0x83: {  	_ =	shalt  }
0x84: {  	_ =	shalt  }
0x85: {  	_ =	shalt  }
0x86: {  	_ =	shalt  }
0x87: {  	_ =	shalt  }
.Lfunc_end0:
.L_simem_size_0:
called_computation_lowered:
.L_overlay_start_0:
0x88: {  	s2 =	sld [smem:$0x3FD9]  }
0x89: {  	s3 =	sld [smem:$0x3FFE];
	_ =	sdelay $0x1  }
0x8a: {  	s1 =	srdreg.scid  }
0x8b: {  	s0 =	sand.u32 $0x1, s1  }
0x8c: {  	s15 =	sshll.u32 s0, $0xA;
	s2 =	sadd.s32 s3, s2  }
0x8d: {  	s2 =	sadd.s32 s2, s15  }
0x8e: {  	[smem:$0x3FC6] =	sst s2  }
0x8f: {  	_ = 	snop  }
0x90: {  	s2 =	sld [smem:$0x3FD0];
	_ =	sdelay $0x2  }
0x91: {  	s4 =	simm.s32 $0xA;
	s5 =	simm.s32 $0x10;
	s16 =	sld [smem:$0x3FC8]  }
0x92: {  	[smem:s5], [sflag:s4] =	dma.local [hbm:s2], $0x1  }
0x93: {  	_ =	swait.eq [sflag:s4], $0x1  }
0x94: {  	[sflag:s4] =	ssyncset.done $0x0  }
0x95: {  	[sflag:s4] =	ssyncadd.s32 $0xFFFFFFFF  }
0x96: {  	s17 =	sld [smem:$0x11];
	(tm) =	ssettm $0x1  }
0x97: {  	s18 =	sld [smem:$0x3FFB];
	_ =	sdelay $0x3  }
0x98: {  	_ =	strace s18  }
0x99: {  	s4 =	sld [smem:$0x3FFC];
	_ =	sdelay $0x3  }
0x9a: {  	_ =	strace s4  }
0x9b: {  	s4 =	sld [smem:$0x3FFD];
	_ =	sdelay $0x3  }
0x9c: {  	_ =	strace s4  }
0x9d: {  	_ =	strace $0x8FFFFFFF  }
0x9e: {  	s19 =	sld [smem:$0x3FDB];
	_ =	sdelay $0x1  }
0x9f: {  	s20 =	simm.s32 $_scs_section_size  }
0xa0: {  	s6 =	simm.s32 $_size__tile_overlayer_lowered;
	s7 =	simm.s32 $_tile_overlayer_lowered  }
0xa1: {  	s23 =	simm.s32 $0x1BFF;
	s22 =	sshll.u32 s7, $0x1;
	s4 =	sadd.s32 s20, s19  }
0xa2: {  	s8 =	simm.s32 $0x0;
	s21 =	sshll.u32 s6, $0x1;
	s6 =	sadd.s32 s22, s4  }
0xa3: {  	[timem:s8], [sflag:s23] =	dma.local [hbm:s6], s21  }
0xa4: {  	_ =	swait.ge [sflag:s23], s21  }
0xa5: {  	s5 =	ssub.s32 $0x0, s21;
	[sflag:s23] =	ssyncset.done $0x0  }
0xa6: {  	[sflag:s23] =	ssyncadd.s32 s5;
	_ =	sdelay $0x1  }
0xa7: {  	s24 =	simm.s32 $0x1B8B  }
0xa8: {  	_ =	swait.ge [sflag:s24], $0x1  }
0xa9: {  	[sflag:s24] =	ssyncset.done $0x0  }
0xaa: {  	s25 =	simm.s32 $0x1B8E;
	[sflag:s24] =	ssyncadd.s32 $0xFFFFFFFF  }
0xab: {  	s26 =	simm.s32 $execute0_lowered;
	[smem:$0x3FD2] =	sst s25  }
0xac: {  	s5 =	sshll.u32 s26, $0x1;
	_ =	strace $0x80000046;
	[dreg:$0x1] =	wrdreg $0xFFFFFFFF  }
0xad: {  	s28 =	simm.s32 $_size_execute0_lowered;
	s4 =	sadd.s32 s4, s5;
	[dreg:$0x0] =	wrdreg $0x0  }
0xae: {  	s5 =	sshll.u32 s28, $0x1;
	[dreg:$0x2] =	wrdreg s4  }
0xaf: {  	[dreg:$0x3] =	wrdreg s5  }
0xb0: {  	[dreg:$0x4] =	wrdreg $0xC0  }
0xb1: {  	_ =	task [dreg:s8], $0x5FFFF  }
0xb2: {  	[dreg:$0x1] =	wrdreg $0xFFFFFFFF  }
0xb3: {  	[dreg:$0x0] =	wrdreg $0x60  }
0xb4: {  	[dreg:$0x2] =	wrdreg s16  }
0xb5: {  	[dreg:$0x3] =	wrdreg s17  }
0xb6: {  	[dreg:$0x4] =	wrdreg $0x9  }
0xb7: {  	_ =	task.clear_ibuf [dreg:s8], $0x5FFFF;
	_ =	strace $0x90000046  }
0xb8: {  	s29 =	simm.s32 $0x9;
	_ =	strace $0x80000048  }
0xb9: {  	_ =	swait.ge [sflag:s29], $0x1  }
0xba: {  	[sflag:s29] =	ssyncadd.s32 $0xFFFFFFFF  }
0xbb: {  	_ =	strace $0x90000048  }
0xbc: {  	_ =	sfence  }
0xbd: {  	s30 =	sld [smem:$0x0];
	_ =	sdelay $0x2  }
0xbe: {  	s31 =	sshll.u32 s1, $0xD;
	s1 =	sshrl.u32 s1, $0x2  }
0xbf: {  	s3 =	sand.u32 $0x4000, s31;
	s1 =	sadd.s32 s1, s30  }
0xc0: {  	s0 =	sor.u32 s3, s0;
	s1 =	sshll.u32 s1, $0x11  }
0xc1: {  	s0 =	sor.u32 s1, s0  }
0xc2: {  	s0 =	sadd.s32 $0x8F2B, s0  }
0xc3: {  	[sflag:s0] =	ssyncadd.remote.s32 $0x1  }
0xc4: {  	_ =	sfence.sel $0xFFFF  }
0xc5: {  	[dreg:$0x0] =	wrdreg $0xFFFFFFFF;
	(pc) =	sbr.abs _section_cstart, $3  }
0xc6: {  	[dreg:$0x1] =	wrdreg $0xFFFFFFFF  }
0xc7: {  	_ =	task.clear_ibuf [dreg:s8], $0x2FFFF;
	_ =	strace $0x9FFFFFFF  }
0xc8: {  	(tm) =	ssettm $0x7FFFFFFF  }
0xc9: {  	_ =	shalt  }
tec
execute0_lowered:
.L_overlay_start_1:
0x0: {  	(tag) =	ssettag $0x1  }
0x1: {  	s3 =	rddreg [dreg:$0x0];
	s1 =	srdreg.scid  }
0x2: {  	s0 =	rddreg [dreg:$0x1];
	s4 =	stileid.u32;
	s1 =	sand.u32 $0x1, s1  }
0x3: {  	s2 =	simm.s32 $0x0;
	s4 =	sshll.u32 s4, $0x10;
	s5 =	sshll.u32 s1, $0xF  }
0x4: {  	[smem:$0x7FF] =	sst s2;
	s4 =	sor.u32 s5, s4  }
0x5: {  	_ =	strace $0x80000047;
	s5 =	sadd.s32 s3, s4;
	s6 =	sor.u32 $0x1000, s4  }
0x6: {  	s14 =	sadd.s32 s0, s4;
	[dreg:$0x3] =	wrdreg s5;
	s15 =	sadd.s32 s3, s6  }
0x7: {  	s16 =	sadd.s32 $0x100000, s14;
	[dreg:$0x4] =	wrdreg s15  }
0x8: {  	s17 =	sadd.s32 $0x200000, s14;
	[dreg:$0x5] =	wrdreg s16  }
0x9: {  	s7 =	sor.u32 $0x2000, s4;
	s18 =	sadd.s32 $0x300000, s14;
	[dreg:$0x6] =	wrdreg s17  }
0xa: {  	p0 =	por $0x0, $0x0;
	s19 =	sadd.s32 s3, s7;
	[dreg:$0x7] =	wrdreg s18  }
0xb: {  	s31 =	simm.s32 $0x8000;
	s20 =	sadd.s32 s0, s6;
	[dreg:$0x8] =	wrdreg s19  }
0xc: {  	s1 =	ssub.s32 $0x2, s1;
	s21 =	sadd.s32 $0x101000, s14;
	[dreg:$0x9] =	wrdreg s20  }
0xd: {  	s24 =	sor.u32 $0x3000, s4;
	s22 =	sadd.s32 $0x201000, s14;
	[dreg:$0xa] =	wrdreg s21  }
0xe: {  	s10 =	sor.u32 $0x4000, s4;
	s23 =	sadd.s32 $0x301000, s14;
	[dreg:$0xb] =	wrdreg s22  }
0xf: {  	s13 =	sor.u32 $0x5000, s4;
	s25 =	sadd.s32 s3, s24;
	[dreg:$0xc] =	wrdreg s23  }
0x10: {  	s26 =	sadd.s32 s0, s7;
	s7 =	sadd.s32 $0x102000, s14;
	[dreg:$0xd] =	wrdreg s25  }
0x11: {  	s8 =	sadd.s32 $0x202000, s14;
	s9 =	sadd.s32 $0x302000, s14;
	[dreg:$0xe] =	wrdreg s26  }
0x12: {  	s11 =	sadd.s32 s3, s10;
	s12 =	sadd.s32 s0, s24;
	[dreg:$0xf] =	wrdreg s7  }
0x13: {  	s28 =	sadd.s32 $0x103000, s14;
	s29 =	sadd.s32 $0x203000, s14;
	[dreg:$0x10] =	wrdreg s8  }
0x14: {  	s30 =	sadd.s32 $0x303000, s14;
	s24 =	sadd.s32 $0x104000, s14;
	[dreg:$0x11] =	wrdreg s9  }
0x15: {  	s6 =	sadd.s32 $0x107000, s14;
	s8 =	sshrl.u32 s1, $0x1;
	[dreg:$0x12] =	wrdreg s11  }
0x16: {  	[dreg:$0x13] =	wrdreg s12;
	s22 =	sadd.s32 s3, s13;
	s23 =	sadd.s32 s0, s10  }
0x17: {  	s15 =	sor.u32 $0x6000, s4;
	s25 =	sadd.s32 $0x204000, s14;
	s26 =	sadd.s32 $0x304000, s14  }
0x18: {  	s17 =	sadd.s32 s0, s13;
	s18 =	sadd.s32 $0x105000, s14;
	s1 =	ssub.s32 s1, s8  }
0x19: {  	s4 =	sor.u32 $0x7000, s4;
	s19 =	sadd.s32 $0x205000, s14;
	s21 =	smax.u32 s1, $0x1  }
0x1a: {  	s20 =	sadd.s32 $0x305000, s14;
	s10 =	sadd.s32 $0x106000, s14;
	p1 =	sne.s32 s21, $0x1  }
.Ltmp0:
0x1b: {  	s11 =	sadd.s32 $0x206000, s14;
	s12 =	sadd.s32 $0x306000, s14;
	(pc) =	sbr.rel @!p1 .LBB2_3-.Ltmp0, $4  }
0x1c: {  	s7 =	sadd.s32 $0x207000, s14;
	s13 =	sadd.s32 $0x307000, s14;
	s16 =	sadd.s32 s3, s15  }
0x1d: {  	s8 =	sadd.s32 s3, s4;
	s9 =	sadd.s32 s0, s15;
	s5 =	sadd.s32 s0, s4  }
0x1e: {  	s15 =	simm.s32 $0x2;
	s4 =	simm.s32 $0x3;
	s3 =	simm.s32 $0x4  }
0x1f: {  	s1 =	rddreg [dreg:$0x3];
	s0 =	sadd.s32 $0xFFFFFFFF, s21;
	s21 =	simm.s32 $0x1  }
0x20: {  	[tilespmem:s2], [sflag:$0x1] =	stream.linear.gather [hbm4b:s1+s2], $0x8000, $0x38;
	[tilespmem:$0x10000] =	vst v63  }
0x21: {  	_ =	swait.ge [sflag:s21], $0x8000  }
0x22: {  	[sflag:s21] =	ssyncset.done $0x0  }
0x23: {  	s1 =	rddreg [dreg:$0x4];
	[sflag:s21] =	ssyncadd.s32 $0xFFFF8000  }
0x24: {  	[tilespmem:s31], [sflag:$0x2] =	stream.linear.gather [hbm4b:s1+s2], $0x8000, $0x38;
	[tilespmem:$0x10000] =	vst v63  }
0x25: {  	[dreg:$0x15] =	wrdreg s0  }
0x26: {  	[hbm4b:s14+s2] =	stream.linear.scatter [tilespmem:s2], [sflag:$0x3], $0x8000, $0x38;
	[tilespmem:$0x10000] =	vst v63  }
0x27: {  	s1 =	rddreg [dreg:$0x5]  }
0x28: {  	[hbm4b:s1+s2] =	stream.linear.scatter [tilespmem:s2], [sflag:$0x3], $0x8000, $0x38;
	[tilespmem:$0x10000] =	vst v63  }
0x29: {  	s0 =	rddreg [dreg:$0x6]  }
0x2a: {  	[hbm4b:s0+s2] =	stream.linear.scatter [tilespmem:s2], [sflag:$0x3], $0x8000, $0x38;
	[tilespmem:$0x10000] =	vst v63  }
0x2b: {  	s1 =	rddreg [dreg:$0x7]  }
0x2c: {  	[hbm4b:s1+s2] =	stream.linear.scatter [tilespmem:s2], [sflag:$0x3], $0x8000, $0x38;
	[tilespmem:$0x10000] =	vst v63  }
0x2d: {  	_ =	swait.ge [sflag:s15], $0x8000  }
0x2e: {  	[sflag:s15] =	ssyncset.done $0x0  }
0x2f: {  	[sflag:s15] =	ssyncadd.s32 $0xFFFF8000  }
0x30: {  	_ =	swait.ge [sflag:s4], $0x8000  }
0x31: {  	[sflag:s4] =	ssyncset.done $0x0  }
0x32: {  	[sflag:s4] =	ssyncadd.s32 $0xFFFF8000  }
0x33: {  	_ =	swait.ge [sflag:s4], $0x8000  }
0x34: {  	[sflag:s4] =	ssyncset.done $0x0  }
0x35: {  	[sflag:s4] =	ssyncadd.s32 $0xFFFF8000  }
0x36: {  	_ =	swait.ge [sflag:s4], $0x8000  }
0x37: {  	[sflag:s4] =	ssyncset.done $0x0  }
0x38: {  	[sflag:s4] =	ssyncadd.s32 $0xFFFF8000  }
0x39: {  	_ =	swait.ge [sflag:s4], $0x8000  }
0x3a: {  	[sflag:s4] =	ssyncset.done $0x0  }
0x3b: {  	s0 =	rddreg [dreg:$0x8];
	[sflag:s4] =	ssyncadd.s32 $0xFFFF8000  }
0x3c: {  	[tilespmem:s2], [sflag:$0x1] =	stream.linear.gather [hbm4b:s0+s2], $0x8000, $0x38;
	[tilespmem:$0x10000] =	vst v63  }
0x3d: {  	s1 =	rddreg [dreg:$0x9]  }
0x3e: {  	[hbm4b:s1+s2] =	stream.linear.scatter [tilespmem:s31], [sflag:$0x4], $0x8000, $0x38;
	[tilespmem:$0x10000] =	vst v63  }
0x3f: {  	s0 =	rddreg [dreg:$0xa]  }
0x40: {  	[hbm4b:s0+s2] =	stream.linear.scatter [tilespmem:s31], [sflag:$0x4], $0x8000, $0x38;
	[tilespmem:$0x10000] =	vst v63  }
0x41: {  	s1 =	rddreg [dreg:$0xb]  }
0x42: {  	[hbm4b:s1+s2] =	stream.linear.scatter [tilespmem:s31], [sflag:$0x4], $0x8000, $0x38;
	[tilespmem:$0x10000] =	vst v63  }
0x43: {  	s0 =	rddreg [dreg:$0xc]  }
0x44: {  	[hbm4b:s0+s2] =	stream.linear.scatter [tilespmem:s31], [sflag:$0x4], $0x8000, $0x38;
	[tilespmem:$0x10000] =	vst v63  }
0x45: {  	_ =	swait.ge [sflag:s21], $0x8000  }
0x46: {  	[sflag:s21] =	ssyncset.done $0x0  }
0x47: {  	[sflag:s21] =	ssyncadd.s32 $0xFFFF8000  }
0x48: {  	_ =	swait.ge [sflag:s3], $0x8000  }
0x49: {  	[sflag:s3] =	ssyncset.done $0x0  }
0x4a: {  	[sflag:s3] =	ssyncadd.s32 $0xFFFF8000  }
0x4b: {  	_ =	swait.ge [sflag:s3], $0x8000  }
0x4c: {  	[sflag:s3] =	ssyncset.done $0x0  }
0x4d: {  	[sflag:s3] =	ssyncadd.s32 $0xFFFF8000  }
0x4e: {  	_ =	swait.ge [sflag:s3], $0x8000  }
0x4f: {  	[sflag:s3] =	ssyncset.done $0x0  }
0x50: {  	[sflag:s3] =	ssyncadd.s32 $0xFFFF8000  }
0x51: {  	_ =	swait.ge [sflag:s3], $0x8000  }
0x52: {  	[sflag:s3] =	ssyncset.done $0x0  }
0x53: {  	s0 =	rddreg [dreg:$0xd];
	[sflag:s3] =	ssyncadd.s32 $0xFFFF8000  }
0x54: {  	[tilespmem:s31], [sflag:$0x2] =	stream.linear.gather [hbm4b:s0+s2], $0x8000, $0x38;
	[tilespmem:$0x10000] =	vst v63  }
0x55: {  	s1 =	rddreg [dreg:$0xe]  }
0x56: {  	[hbm4b:s1+s2] =	stream.linear.scatter [tilespmem:s2], [sflag:$0x3], $0x8000, $0x38;
	[tilespmem:$0x10000] =	vst v63  }
0x57: {  	s0 =	rddreg [dreg:$0xf]  }
0x58: {  	[hbm4b:s0+s2] =	stream.linear.scatter [tilespmem:s2], [sflag:$0x3], $0x8000, $0x38;
	[tilespmem:$0x10000] =	vst v63  }
0x59: {  	s1 =	rddreg [dreg:$0x10]  }
0x5a: {  	[hbm4b:s1+s2] =	stream.linear.scatter [tilespmem:s2], [sflag:$0x3], $0x8000, $0x38;
	[tilespmem:$0x10000] =	vst v63  }
0x5b: {  	s0 =	rddreg [dreg:$0x11]  }
0x5c: {  	[hbm4b:s0+s2] =	stream.linear.scatter [tilespmem:s2], [sflag:$0x3], $0x8000, $0x38;
	[tilespmem:$0x10000] =	vst v63  }
0x5d: {  	_ =	swait.ge [sflag:s15], $0x8000  }
0x5e: {  	[sflag:s15] =	ssyncset.done $0x0  }
0x5f: {  	[sflag:s15] =	ssyncadd.s32 $0xFFFF8000  }
0x60: {  	_ =	swait.ge [sflag:s4], $0x8000  }
0x61: {  	[sflag:s4] =	ssyncset.done $0x0  }
0x62: {  	[sflag:s4] =	ssyncadd.s32 $0xFFFF8000  }
0x63: {  	_ =	swait.ge [sflag:s4], $0x8000  }
0x64: {  	[sflag:s4] =	ssyncset.done $0x0  }
0x65: {  	[sflag:s4] =	ssyncadd.s32 $0xFFFF8000  }
0x66: {  	_ =	swait.ge [sflag:s4], $0x8000  }
0x67: {  	[sflag:s4] =	ssyncset.done $0x0  }
0x68: {  	[sflag:s4] =	ssyncadd.s32 $0xFFFF8000  }
0x69: {  	_ =	swait.ge [sflag:s4], $0x8000  }
0x6a: {  	[sflag:s4] =	ssyncset.done $0x0  }
0x6b: {  	s0 =	rddreg [dreg:$0x12];
	[sflag:s4] =	ssyncadd.s32 $0xFFFF8000  }
0x6c: {  	[tilespmem:s2], [sflag:$0x1] =	stream.linear.gather [hbm4b:s0+s2], $0x8000, $0x38;
	[tilespmem:$0x10000] =	vst v63  }
0x6d: {  	s1 =	rddreg [dreg:$0x13]  }
0x6e: {  	[hbm4b:s1+s2] =	stream.linear.scatter [tilespmem:s31], [sflag:$0x4], $0x8000, $0x38;
	[tilespmem:$0x10000] =	vst v63  }
0x6f: {  	_ = 	snop  }
0x70: {  	[hbm4b:s28+s2] =	stream.linear.scatter [tilespmem:s31], [sflag:$0x4], $0x8000, $0x38;
	[tilespmem:$0x10000] =	vst v63  }
0x71: {  	_ = 	snop  }
0x72: {  	[hbm4b:s29+s2] =	stream.linear.scatter [tilespmem:s31], [sflag:$0x4], $0x8000, $0x38;
	[tilespmem:$0x10000] =	vst v63  }
0x73: {  	_ = 	snop  }
0x74: {  	[hbm4b:s30+s2] =	stream.linear.scatter [tilespmem:s31], [sflag:$0x4], $0x8000, $0x38;
	[tilespmem:$0x10000] =	vst v63  }
0x75: {  	_ =	swait.ge [sflag:s21], $0x8000  }
0x76: {  	[sflag:s21] =	ssyncset.done $0x0  }
0x77: {  	[sflag:s21] =	ssyncadd.s32 $0xFFFF8000  }
0x78: {  	_ =	swait.ge [sflag:s3], $0x8000  }
0x79: {  	[sflag:s3] =	ssyncset.done $0x0  }
0x7a: {  	[sflag:s3] =	ssyncadd.s32 $0xFFFF8000  }
0x7b: {  	_ =	swait.ge [sflag:s3], $0x8000  }
0x7c: {  	[sflag:s3] =	ssyncset.done $0x0  }
0x7d: {  	[sflag:s3] =	ssyncadd.s32 $0xFFFF8000  }
0x7e: {  	_ =	swait.ge [sflag:s3], $0x8000  }
0x7f: {  	[sflag:s3] =	ssyncset.done $0x0  }
0x80: {  	[sflag:s3] =	ssyncadd.s32 $0xFFFF8000  }
0x81: {  	_ =	swait.ge [sflag:s3], $0x8000  }
0x82: {  	[sflag:s3] =	ssyncset.done $0x0  }
0x83: {  	[sflag:s3] =	ssyncadd.s32 $0xFFFF8000  }
0x84: {  	[tilespmem:s31], [sflag:$0x2] =	stream.linear.gather [hbm4b:s22+s2], $0x8000, $0x38;
	[tilespmem:$0x10000] =	vst v63  }
0x85: {  	_ = 	snop  }
0x86: {  	[hbm4b:s23+s2] =	stream.linear.scatter [tilespmem:s2], [sflag:$0x3], $0x8000, $0x38;
	[tilespmem:$0x10000] =	vst v63  }
0x87: {  	_ = 	snop  }
0x88: {  	[hbm4b:s24+s2] =	stream.linear.scatter [tilespmem:s2], [sflag:$0x3], $0x8000, $0x38;
	[tilespmem:$0x10000] =	vst v63  }
0x89: {  	_ = 	snop  }
0x8a: {  	[hbm4b:s25+s2] =	stream.linear.scatter [tilespmem:s2], [sflag:$0x3], $0x8000, $0x38;
	[tilespmem:$0x10000] =	vst v63  }
0x8b: {  	_ = 	snop  }
0x8c: {  	[hbm4b:s26+s2] =	stream.linear.scatter [tilespmem:s2], [sflag:$0x3], $0x8000, $0x38;
	[tilespmem:$0x10000] =	vst v63  }
0x8d: {  	_ =	swait.ge [sflag:s15], $0x8000  }
0x8e: {  	[sflag:s15] =	ssyncset.done $0x0  }
0x8f: {  	[sflag:s15] =	ssyncadd.s32 $0xFFFF8000  }
0x90: {  	_ =	swait.ge [sflag:s4], $0x8000  }
0x91: {  	[sflag:s4] =	ssyncset.done $0x0  }
0x92: {  	[sflag:s4] =	ssyncadd.s32 $0xFFFF8000  }
0x93: {  	_ =	swait.ge [sflag:s4], $0x8000  }
0x94: {  	[sflag:s4] =	ssyncset.done $0x0  }
0x95: {  	[sflag:s4] =	ssyncadd.s32 $0xFFFF8000  }
0x96: {  	_ =	swait.ge [sflag:s4], $0x8000  }
0x97: {  	[sflag:s4] =	ssyncset.done $0x0  }
0x98: {  	[sflag:s4] =	ssyncadd.s32 $0xFFFF8000  }
0x99: {  	_ =	swait.ge [sflag:s4], $0x8000  }
0x9a: {  	[sflag:s4] =	ssyncset.done $0x0  }
0x9b: {  	[sflag:s4] =	ssyncadd.s32 $0xFFFF8000  }
0x9c: {  	[tilespmem:s2], [sflag:$0x1] =	stream.linear.gather [hbm4b:s16+s2], $0x8000, $0x38;
	[tilespmem:$0x10000] =	vst v63  }
0x9d: {  	_ = 	snop  }
0x9e: {  	[hbm4b:s17+s2] =	stream.linear.scatter [tilespmem:s31], [sflag:$0x4], $0x8000, $0x38;
	[tilespmem:$0x10000] =	vst v63  }
0x9f: {  	_ = 	snop  }
0xa0: {  	[hbm4b:s18+s2] =	stream.linear.scatter [tilespmem:s31], [sflag:$0x4], $0x8000, $0x38;
	[tilespmem:$0x10000] =	vst v63  }
0xa1: {  	_ = 	snop  }
0xa2: {  	[hbm4b:s19+s2] =	stream.linear.scatter [tilespmem:s31], [sflag:$0x4], $0x8000, $0x38;
	[tilespmem:$0x10000] =	vst v63  }
0xa3: {  	_ = 	snop  }
0xa4: {  	[hbm4b:s20+s2] =	stream.linear.scatter [tilespmem:s31], [sflag:$0x4], $0x8000, $0x38;
	[tilespmem:$0x10000] =	vst v63  }
0xa5: {  	_ =	swait.ge [sflag:s21], $0x8000  }
0xa6: {  	[sflag:s21] =	ssyncset.done $0x0  }
0xa7: {  	[sflag:s21] =	ssyncadd.s32 $0xFFFF8000  }
0xa8: {  	_ =	swait.ge [sflag:s3], $0x8000  }
0xa9: {  	[sflag:s3] =	ssyncset.done $0x0  }
0xaa: {  	[sflag:s3] =	ssyncadd.s32 $0xFFFF8000  }
0xab: {  	_ =	swait.ge [sflag:s3], $0x8000  }
0xac: {  	[sflag:s3] =	ssyncset.done $0x0  }
0xad: {  	[sflag:s3] =	ssyncadd.s32 $0xFFFF8000  }
0xae: {  	_ =	swait.ge [sflag:s3], $0x8000  }
0xaf: {  	[sflag:s3] =	ssyncset.done $0x0  }
0xb0: {  	[sflag:s3] =	ssyncadd.s32 $0xFFFF8000  }
0xb1: {  	_ =	swait.ge [sflag:s3], $0x8000  }
0xb2: {  	[sflag:s3] =	ssyncset.done $0x0  }
0xb3: {  	[sflag:s3] =	ssyncadd.s32 $0xFFFF8000  }
0xb4: {  	[tilespmem:s31], [sflag:$0x2] =	stream.linear.gather [hbm4b:s8+s2], $0x8000, $0x38;
	[tilespmem:$0x10000] =	vst v63  }
0xb5: {  	_ = 	snop  }
0xb6: {  	[hbm4b:s9+s2] =	stream.linear.scatter [tilespmem:s2], [sflag:$0x3], $0x8000, $0x38;
	[tilespmem:$0x10000] =	vst v63  }
0xb7: {  	_ = 	snop  }
0xb8: {  	[hbm4b:s10+s2] =	stream.linear.scatter [tilespmem:s2], [sflag:$0x3], $0x8000, $0x38;
	[tilespmem:$0x10000] =	vst v63  }
0xb9: {  	_ = 	snop  }
0xba: {  	[hbm4b:s11+s2] =	stream.linear.scatter [tilespmem:s2], [sflag:$0x3], $0x8000, $0x38;
	[tilespmem:$0x10000] =	vst v63  }
0xbb: {  	_ = 	snop  }
0xbc: {  	[hbm4b:s12+s2] =	stream.linear.scatter [tilespmem:s2], [sflag:$0x3], $0x8000, $0x38;
	[tilespmem:$0x10000] =	vst v63  }
0xbd: {  	_ =	swait.ge [sflag:s15], $0x8000  }
0xbe: {  	[sflag:s15] =	ssyncset.done $0x0  }
0xbf: {  	[sflag:s15] =	ssyncadd.s32 $0xFFFF8000  }
0xc0: {  	[hbm4b:s5+s2] =	stream.linear.scatter [tilespmem:s31], [sflag:$0x4], $0x8000, $0x38;
	[tilespmem:$0x10000] =	vst v63  }
0xc1: {  	_ = 	snop  }
0xc2: {  	[hbm4b:s6+s2] =	stream.linear.scatter [tilespmem:s31], [sflag:$0x4], $0x8000, $0x38;
	[tilespmem:$0x10000] =	vst v63  }
0xc3: {  	_ = 	snop  }
0xc4: {  	[hbm4b:s7+s2] =	stream.linear.scatter [tilespmem:s31], [sflag:$0x4], $0x8000, $0x38;
	[tilespmem:$0x10000] =	vst v63  }
0xc5: {  	_ = 	snop  }
0xc6: {  	[hbm4b:s13+s2] =	stream.linear.scatter [tilespmem:s31], [sflag:$0x4], $0x8000, $0x38;
	[tilespmem:$0x10000] =	vst v63  }
0xc7: {  	_ =	swait.ge [sflag:s4], $0x8000  }
0xc8: {  	[sflag:s4] =	ssyncset.done $0x0  }
0xc9: {  	[sflag:s4] =	ssyncadd.s32 $0xFFFF8000  }
0xca: {  	_ =	swait.ge [sflag:s4], $0x8000  }
0xcb: {  	[sflag:s4] =	ssyncset.done $0x0  }
0xcc: {  	[sflag:s4] =	ssyncadd.s32 $0xFFFF8000  }
0xcd: {  	_ =	swait.ge [sflag:s4], $0x8000  }
0xce: {  	[sflag:s4] =	ssyncset.done $0x0  }
0xcf: {  	[sflag:s4] =	ssyncadd.s32 $0xFFFF8000  }
0xd0: {  	_ =	swait.ge [sflag:s4], $0x8000  }
0xd1: {  	[sflag:s4] =	ssyncset.done $0x0  }
0xd2: {  	[sflag:s4] =	ssyncadd.s32 $0xFFFF8000  }
0xd3: {  	_ =	swait.ge [sflag:s3], $0x8000  }
0xd4: {  	[sflag:s3] =	ssyncset.done $0x0  }
0xd5: {  	[sflag:s3] =	ssyncadd.s32 $0xFFFF8000  }
0xd6: {  	_ =	swait.ge [sflag:s3], $0x8000  }
0xd7: {  	[sflag:s3] =	ssyncset.done $0x0  }
0xd8: {  	[sflag:s3] =	ssyncadd.s32 $0xFFFF8000  }
0xd9: {  	_ =	swait.ge [sflag:s3], $0x8000  }
0xda: {  	s1 =	rddreg [dreg:$0x15]  }
0xdb: {  	p1 =	sne.s32 s1, $0x1  }
.Ltmp1:
0xdc: {  	_ = 	snop;
	(pc) =	sbr.rel @!p1 .LBB2_3-.Ltmp1, $4  }
0xdd: {  	[sflag:s3] =	ssyncset.done $0x0  }
0xde: {  	[sflag:s3] =	ssyncadd.s32 $0xFFFF8000  }
0xdf: {  	p0 =	por $0x1, $0x1;
	_ =	swait.ge [sflag:s3], $0x8000;
	[dreg:$0x14] =	wrdreg s14  }
0xe0: {  	s0 =	sadd.s32 $0xFFFFFFFF, s1;
	s1 =	rddreg [dreg:$0x3];
	[sflag:s3] =	ssyncset.done $0x0  }
.LBB2_2:
0xe1: {  	[sflag:s3] =	ssyncadd.s32 $0xFFFF8000  }
0xe2: {  	[tilespmem:s2], [sflag:$0x1] =	stream.linear.gather [hbm4b:s1+s2], $0x8000, $0x38;
	[tilespmem:$0x10000] =	vst v63  }
0xe3: {  	_ =	swait.ge [sflag:s21], $0x8000  }
0xe4: {  	[sflag:s21] =	ssyncset.done $0x0  }
0xe5: {  	s15 =	rddreg [dreg:$0x4];
	[sflag:s21] =	ssyncadd.s32 $0xFFFF8000  }
0xe6: {  	[tilespmem:s31], [sflag:$0x2] =	stream.linear.gather [hbm4b:s15+s2], $0x8000, $0x38;
	[tilespmem:$0x10000] =	vst v63  }
0xe7: {  	s1 =	rddreg [dreg:$0x5];
	s15 =	smov.u32 s30;
	s30 =	smov.u32 s29  }
0xe8: {  	s29 =	smov.u32 s28;
	s28 =	smov.u32 s26;
	s26 =	smov.u32 s25  }
0xe9: {  	s25 =	smov.u32 s24;
	s24 =	smov.u32 s23;
	s23 =	smov.u32 s22  }
0xea: {  	s22 =	smov.u32 s20;
	s20 =	smov.u32 s19;
	s19 =	smov.u32 s18  }
0xeb: {  	s18 =	smov.u32 s17;
	s17 =	smov.u32 s16;
	s16 =	smov.u32 s13  }
0xec: {  	s13 =	smov.u32 s12;
	s12 =	smov.u32 s11;
	s11 =	smov.u32 s10  }
0xed: {  	[hbm4b:s14+s2] =	stream.linear.scatter [tilespmem:s2], [sflag:$0x3], $0x8000, $0x38;
	[tilespmem:$0x10000] =	vst v63  }
0xee: {  	s10 =	smov.u32 s9;
	s9 =	smov.u32 s8;
	s8 =	smov.u32 s7  }
0xef: {  	[hbm4b:s1+s2] =	stream.linear.scatter [tilespmem:s2], [sflag:$0x3], $0x8000, $0x38;
	[tilespmem:$0x10000] =	vst v63  }
0xf0: {  	s7 =	smov.u32 s6;
	s6 =	smov.u32 s5;
	s5 =	rddreg [dreg:$0x6]  }
0xf1: {  	[hbm4b:s5+s2] =	stream.linear.scatter [tilespmem:s2], [sflag:$0x3], $0x8000, $0x38;
	[tilespmem:$0x10000] =	vst v63  }
0xf2: {  	s21 =	simm.s32 $0x2;
	s1 =	rddreg [dreg:$0x7]  }
0xf3: {  	[hbm4b:s1+s2] =	stream.linear.scatter [tilespmem:s2], [sflag:$0x3], $0x8000, $0x38;
	[tilespmem:$0x10000] =	vst v63  }
0xf4: {  	_ =	swait.ge [sflag:s21], $0x8000  }
0xf5: {  	[sflag:s21] =	ssyncset.done $0x0  }
0xf6: {  	[sflag:s21] =	ssyncadd.s32 $0xFFFF8000  }
0xf7: {  	_ =	swait.ge [sflag:s4], $0x8000  }
0xf8: {  	[sflag:s4] =	ssyncset.done $0x0  }
0xf9: {  	[sflag:s4] =	ssyncadd.s32 $0xFFFF8000  }
0xfa: {  	_ =	swait.ge [sflag:s4], $0x8000  }
0xfb: {  	[sflag:s4] =	ssyncset.done $0x0  }
0xfc: {  	[sflag:s4] =	ssyncadd.s32 $0xFFFF8000  }
0xfd: {  	_ =	swait.ge [sflag:s4], $0x8000  }
0xfe: {  	[sflag:s4] =	ssyncset.done $0x0  }
0xff: {  	[sflag:s4] =	ssyncadd.s32 $0xFFFF8000  }
0x100: {  	_ =	swait.ge [sflag:s4], $0x8000  }
0x101: {  	[sflag:s4] =	ssyncset.done $0x0  }
0x102: {  	s1 =	rddreg [dreg:$0x8];
	[sflag:s4] =	ssyncadd.s32 $0xFFFF8000  }
0x103: {  	[tilespmem:s2], [sflag:$0x1] =	stream.linear.gather [hbm4b:s1+s2], $0x8000, $0x38;
	[tilespmem:$0x10000] =	vst v63  }
0x104: {  	s5 =	rddreg [dreg:$0x9]  }
0x105: {  	[hbm4b:s5+s2] =	stream.linear.scatter [tilespmem:s31], [sflag:$0x4], $0x8000, $0x38;
	[tilespmem:$0x10000] =	vst v63  }
0x106: {  	s1 =	rddreg [dreg:$0xa]  }
0x107: {  	[hbm4b:s1+s2] =	stream.linear.scatter [tilespmem:s31], [sflag:$0x4], $0x8000, $0x38;
	[tilespmem:$0x10000] =	vst v63  }
0x108: {  	s5 =	rddreg [dreg:$0xb]  }
0x109: {  	[hbm4b:s5+s2] =	stream.linear.scatter [tilespmem:s31], [sflag:$0x4], $0x8000, $0x38;
	[tilespmem:$0x10000] =	vst v63  }
0x10a: {  	s14 =	simm.s32 $0x1;
	s1 =	rddreg [dreg:$0xc]  }
0x10b: {  	[hbm4b:s1+s2] =	stream.linear.scatter [tilespmem:s31], [sflag:$0x4], $0x8000, $0x38;
	[tilespmem:$0x10000] =	vst v63  }
0x10c: {  	_ =	swait.ge [sflag:s14], $0x8000  }
0x10d: {  	[sflag:s14] =	ssyncset.done $0x0  }
0x10e: {  	[sflag:s14] =	ssyncadd.s32 $0xFFFF8000  }
0x10f: {  	_ =	swait.ge [sflag:s3], $0x8000  }
0x110: {  	[sflag:s3] =	ssyncset.done $0x0  }
0x111: {  	[sflag:s3] =	ssyncadd.s32 $0xFFFF8000  }
0x112: {  	_ =	swait.ge [sflag:s3], $0x8000  }
0x113: {  	[sflag:s3] =	ssyncset.done $0x0  }
0x114: {  	[sflag:s3] =	ssyncadd.s32 $0xFFFF8000  }
0x115: {  	_ =	swait.ge [sflag:s3], $0x8000  }
0x116: {  	[sflag:s3] =	ssyncset.done $0x0  }
0x117: {  	[sflag:s3] =	ssyncadd.s32 $0xFFFF8000  }
0x118: {  	_ =	swait.ge [sflag:s3], $0x8000  }
0x119: {  	[sflag:s3] =	ssyncset.done $0x0  }
0x11a: {  	s14 =	rddreg [dreg:$0xd];
	[sflag:s3] =	ssyncadd.s32 $0xFFFF8000  }
0x11b: {  	[tilespmem:s31], [sflag:$0x2] =	stream.linear.gather [hbm4b:s14+s2], $0x8000, $0x38;
	[tilespmem:$0x10000] =	vst v63  }
0x11c: {  	s5 =	rddreg [dreg:$0xe]  }
0x11d: {  	[hbm4b:s5+s2] =	stream.linear.scatter [tilespmem:s2], [sflag:$0x3], $0x8000, $0x38;
	[tilespmem:$0x10000] =	vst v63  }
0x11e: {  	s14 =	rddreg [dreg:$0xf]  }
0x11f: {  	[hbm4b:s14+s2] =	stream.linear.scatter [tilespmem:s2], [sflag:$0x3], $0x8000, $0x38;
	[tilespmem:$0x10000] =	vst v63  }
0x120: {  	s5 =	rddreg [dreg:$0x10]  }
0x121: {  	[hbm4b:s5+s2] =	stream.linear.scatter [tilespmem:s2], [sflag:$0x3], $0x8000, $0x38;
	[tilespmem:$0x10000] =	vst v63  }
0x122: {  	s14 =	rddreg [dreg:$0x11]  }
0x123: {  	[hbm4b:s14+s2] =	stream.linear.scatter [tilespmem:s2], [sflag:$0x3], $0x8000, $0x38;
	[tilespmem:$0x10000] =	vst v63  }
0x124: {  	_ =	swait.ge [sflag:s21], $0x8000  }
0x125: {  	[sflag:s21] =	ssyncset.done $0x0  }
0x126: {  	[sflag:s21] =	ssyncadd.s32 $0xFFFF8000  }
0x127: {  	_ =	swait.ge [sflag:s4], $0x8000  }
0x128: {  	[sflag:s4] =	ssyncset.done $0x0  }
0x129: {  	[sflag:s4] =	ssyncadd.s32 $0xFFFF8000  }
0x12a: {  	_ =	swait.ge [sflag:s4], $0x8000  }
0x12b: {  	s1 =	smov.u32 s7;
	[sflag:s4] =	ssyncset.done $0x0  }
0x12c: {  	s7 =	smov.u32 s8;
	s8 =	smov.u32 s9;
	[sflag:s4] =	ssyncadd.s32 $0xFFFF8000  }
0x12d: {  	s9 =	smov.u32 s10;
	s10 =	smov.u32 s11;
	_ =	swait.ge [sflag:s4], $0x8000  }
0x12e: {  	s11 =	smov.u32 s12;
	s12 =	smov.u32 s13;
	[sflag:s4] =	ssyncset.done $0x0  }
0x12f: {  	s13 =	smov.u32 s16;
	s16 =	smov.u32 s17;
	[sflag:s4] =	ssyncadd.s32 $0xFFFF8000  }
0x130: {  	s17 =	smov.u32 s18;
	s18 =	smov.u32 s19;
	_ =	swait.ge [sflag:s4], $0x8000  }
0x131: {  	s19 =	smov.u32 s20;
	s20 =	smov.u32 s22;
	[sflag:s4] =	ssyncset.done $0x0  }
0x132: {  	s22 =	smov.u32 s23;
	s5 =	rddreg [dreg:$0x12];
	[sflag:s4] =	ssyncadd.s32 $0xFFFF8000  }
0x133: {  	[tilespmem:s2], [sflag:$0x1] =	stream.linear.gather [hbm4b:s5+s2], $0x8000, $0x38;
	[tilespmem:$0x10000] =	vst v63  }
0x134: {  	s23 =	smov.u32 s24;
	s24 =	smov.u32 s25;
	s14 =	rddreg [dreg:$0x13]  }
0x135: {  	[hbm4b:s14+s2] =	stream.linear.scatter [tilespmem:s31], [sflag:$0x4], $0x8000, $0x38;
	[tilespmem:$0x10000] =	vst v63  }
0x136: {  	s25 =	smov.u32 s26;
	s26 =	smov.u32 s28;
	s28 =	smov.u32 s29  }
0x137: {  	[hbm4b:s28+s2] =	stream.linear.scatter [tilespmem:s31], [sflag:$0x4], $0x8000, $0x38;
	[tilespmem:$0x10000] =	vst v63  }
0x138: {  	s29 =	smov.u32 s30  }
0x139: {  	[hbm4b:s29+s2] =	stream.linear.scatter [tilespmem:s31], [sflag:$0x4], $0x8000, $0x38;
	[tilespmem:$0x10000] =	vst v63  }
0x13a: {  	s30 =	smov.u32 s15;
	s21 =	simm.s32 $0x1  }
0x13b: {  	[hbm4b:s30+s2] =	stream.linear.scatter [tilespmem:s31], [sflag:$0x4], $0x8000, $0x38;
	[tilespmem:$0x10000] =	vst v63  }
0x13c: {  	s14 =	rddreg [dreg:$0x14];
	_ =	swait.ge [sflag:s21], $0x8000  }
0x13d: {  	[sflag:s21] =	ssyncset.done $0x0  }
0x13e: {  	[sflag:s21] =	ssyncadd.s32 $0xFFFF8000  }
0x13f: {  	_ =	swait.ge [sflag:s3], $0x8000  }
0x140: {  	[sflag:s3] =	ssyncset.done $0x0  }
0x141: {  	[sflag:s3] =	ssyncadd.s32 $0xFFFF8000  }
0x142: {  	_ =	swait.ge [sflag:s3], $0x8000  }
0x143: {  	[sflag:s3] =	ssyncset.done $0x0  }
0x144: {  	[sflag:s3] =	ssyncadd.s32 $0xFFFF8000  }
0x145: {  	_ =	swait.ge [sflag:s3], $0x8000  }
0x146: {  	[sflag:s3] =	ssyncset.done $0x0  }
0x147: {  	[sflag:s3] =	ssyncadd.s32 $0xFFFF8000  }
0x148: {  	_ =	swait.ge [sflag:s3], $0x8000  }
0x149: {  	[sflag:s3] =	ssyncset.done $0x0  }
0x14a: {  	[sflag:s3] =	ssyncadd.s32 $0xFFFF8000  }
0x14b: {  	[tilespmem:s31], [sflag:$0x2] =	stream.linear.gather [hbm4b:s22+s2], $0x8000, $0x38;
	[tilespmem:$0x10000] =	vst v63  }
0x14c: {  	_ = 	snop  }
0x14d: {  	[hbm4b:s23+s2] =	stream.linear.scatter [tilespmem:s2], [sflag:$0x3], $0x8000, $0x38;
	[tilespmem:$0x10000] =	vst v63  }
0x14e: {  	_ = 	snop  }
0x14f: {  	[hbm4b:s24+s2] =	stream.linear.scatter [tilespmem:s2], [sflag:$0x3], $0x8000, $0x38;
	[tilespmem:$0x10000] =	vst v63  }
0x150: {  	_ = 	snop  }
0x151: {  	[hbm4b:s25+s2] =	stream.linear.scatter [tilespmem:s2], [sflag:$0x3], $0x8000, $0x38;
	[tilespmem:$0x10000] =	vst v63  }
0x152: {  	s15 =	simm.s32 $0x2  }
0x153: {  	[hbm4b:s26+s2] =	stream.linear.scatter [tilespmem:s2], [sflag:$0x3], $0x8000, $0x38;
	[tilespmem:$0x10000] =	vst v63  }
0x154: {  	_ =	swait.ge [sflag:s15], $0x8000  }
0x155: {  	[sflag:s15] =	ssyncset.done $0x0  }
0x156: {  	[sflag:s15] =	ssyncadd.s32 $0xFFFF8000  }
0x157: {  	_ =	swait.ge [sflag:s4], $0x8000  }
0x158: {  	[sflag:s4] =	ssyncset.done $0x0  }
0x159: {  	[sflag:s4] =	ssyncadd.s32 $0xFFFF8000  }
0x15a: {  	_ =	swait.ge [sflag:s4], $0x8000  }
0x15b: {  	[sflag:s4] =	ssyncset.done $0x0  }
0x15c: {  	[sflag:s4] =	ssyncadd.s32 $0xFFFF8000  }
0x15d: {  	_ =	swait.ge [sflag:s4], $0x8000  }
0x15e: {  	[sflag:s4] =	ssyncset.done $0x0  }
0x15f: {  	[sflag:s4] =	ssyncadd.s32 $0xFFFF8000  }
0x160: {  	_ =	swait.ge [sflag:s4], $0x8000  }
0x161: {  	[sflag:s4] =	ssyncset.done $0x0  }
0x162: {  	[sflag:s4] =	ssyncadd.s32 $0xFFFF8000  }
0x163: {  	[tilespmem:s2], [sflag:$0x1] =	stream.linear.gather [hbm4b:s16+s2], $0x8000, $0x38;
	[tilespmem:$0x10000] =	vst v63  }
0x164: {  	_ = 	snop  }
0x165: {  	[hbm4b:s17+s2] =	stream.linear.scatter [tilespmem:s31], [sflag:$0x4], $0x8000, $0x38;
	[tilespmem:$0x10000] =	vst v63  }
0x166: {  	_ = 	snop  }
0x167: {  	[hbm4b:s18+s2] =	stream.linear.scatter [tilespmem:s31], [sflag:$0x4], $0x8000, $0x38;
	[tilespmem:$0x10000] =	vst v63  }
0x168: {  	_ = 	snop  }
0x169: {  	[hbm4b:s19+s2] =	stream.linear.scatter [tilespmem:s31], [sflag:$0x4], $0x8000, $0x38;
	[tilespmem:$0x10000] =	vst v63  }
0x16a: {  	_ = 	snop  }
0x16b: {  	[hbm4b:s20+s2] =	stream.linear.scatter [tilespmem:s31], [sflag:$0x4], $0x8000, $0x38;
	[tilespmem:$0x10000] =	vst v63  }
0x16c: {  	_ =	swait.ge [sflag:s21], $0x8000  }
0x16d: {  	[sflag:s21] =	ssyncset.done $0x0  }
0x16e: {  	[sflag:s21] =	ssyncadd.s32 $0xFFFF8000  }
0x16f: {  	_ =	swait.ge [sflag:s3], $0x8000  }
0x170: {  	[sflag:s3] =	ssyncset.done $0x0  }
0x171: {  	[sflag:s3] =	ssyncadd.s32 $0xFFFF8000  }
0x172: {  	_ =	swait.ge [sflag:s3], $0x8000  }
0x173: {  	[sflag:s3] =	ssyncset.done $0x0  }
0x174: {  	[sflag:s3] =	ssyncadd.s32 $0xFFFF8000  }
0x175: {  	_ =	swait.ge [sflag:s3], $0x8000  }
0x176: {  	[sflag:s3] =	ssyncset.done $0x0  }
0x177: {  	[sflag:s3] =	ssyncadd.s32 $0xFFFF8000  }
0x178: {  	_ =	swait.ge [sflag:s3], $0x8000  }
0x179: {  	[sflag:s3] =	ssyncset.done $0x0  }
0x17a: {  	[sflag:s3] =	ssyncadd.s32 $0xFFFF8000  }
0x17b: {  	[tilespmem:s31], [sflag:$0x2] =	stream.linear.gather [hbm4b:s8+s2], $0x8000, $0x38;
	[tilespmem:$0x10000] =	vst v63  }
0x17c: {  	_ = 	snop  }
0x17d: {  	[hbm4b:s9+s2] =	stream.linear.scatter [tilespmem:s2], [sflag:$0x3], $0x8000, $0x38;
	[tilespmem:$0x10000] =	vst v63  }
0x17e: {  	_ = 	snop  }
0x17f: {  	[hbm4b:s10+s2] =	stream.linear.scatter [tilespmem:s2], [sflag:$0x3], $0x8000, $0x38;
	[tilespmem:$0x10000] =	vst v63  }
0x180: {  	_ = 	snop  }
0x181: {  	[hbm4b:s11+s2] =	stream.linear.scatter [tilespmem:s2], [sflag:$0x3], $0x8000, $0x38;
	[tilespmem:$0x10000] =	vst v63  }
0x182: {  	_ = 	snop  }
0x183: {  	[hbm4b:s12+s2] =	stream.linear.scatter [tilespmem:s2], [sflag:$0x3], $0x8000, $0x38;
	[tilespmem:$0x10000] =	vst v63  }
0x184: {  	_ =	swait.ge [sflag:s15], $0x8000  }
0x185: {  	[sflag:s15] =	ssyncset.done $0x0  }
0x186: {  	[sflag:s15] =	ssyncadd.s32 $0xFFFF8000  }
0x187: {  	[hbm4b:s6+s2] =	stream.linear.scatter [tilespmem:s31], [sflag:$0x4], $0x8000, $0x38;
	[tilespmem:$0x10000] =	vst v63  }
0x188: {  	_ = 	snop  }
0x189: {  	[hbm4b:s1+s2] =	stream.linear.scatter [tilespmem:s31], [sflag:$0x4], $0x8000, $0x38;
	[tilespmem:$0x10000] =	vst v63  }
0x18a: {  	_ = 	snop  }
0x18b: {  	[hbm4b:s7+s2] =	stream.linear.scatter [tilespmem:s31], [sflag:$0x4], $0x8000, $0x38;
	[tilespmem:$0x10000] =	vst v63  }
0x18c: {  	_ = 	snop  }
0x18d: {  	[hbm4b:s13+s2] =	stream.linear.scatter [tilespmem:s31], [sflag:$0x4], $0x8000, $0x38;
	[tilespmem:$0x10000] =	vst v63  }
0x18e: {  	_ =	swait.ge [sflag:s4], $0x8000  }
0x18f: {  	[sflag:s4] =	ssyncset.done $0x0  }
0x190: {  	[sflag:s4] =	ssyncadd.s32 $0xFFFF8000  }
0x191: {  	_ =	swait.ge [sflag:s4], $0x8000  }
0x192: {  	[sflag:s4] =	ssyncset.done $0x0  }
0x193: {  	[sflag:s4] =	ssyncadd.s32 $0xFFFF8000  }
0x194: {  	_ =	swait.ge [sflag:s4], $0x8000  }
0x195: {  	[sflag:s4] =	ssyncset.done $0x0  }
0x196: {  	[sflag:s4] =	ssyncadd.s32 $0xFFFF8000  }
0x197: {  	_ =	swait.ge [sflag:s4], $0x8000  }
0x198: {  	[sflag:s4] =	ssyncset.done $0x0  }
0x199: {  	[sflag:s4] =	ssyncadd.s32 $0xFFFF8000  }
0x19a: {  	_ =	swait.ge [sflag:s3], $0x8000  }
0x19b: {  	[sflag:s3] =	ssyncset.done $0x0  }
0x19c: {  	[sflag:s3] =	ssyncadd.s32 $0xFFFF8000  }
0x19d: {  	_ =	swait.ge [sflag:s3], $0x8000  }
0x19e: {  	[sflag:s3] =	ssyncset.done $0x0  }
0x19f: {  	p1 =	sne.s32 s0, $0x1;
	[sflag:s3] =	ssyncadd.s32 $0xFFFF8000  }
.Ltmp2:
0x1a0: {  	_ =	swait.ge [sflag:s3], $0x8000;
	(pc) =	sbr.rel @p1 .LBB2_2-.Ltmp2, $4  }
0x1a1: {  	[sflag:s3] =	ssyncset.done $0x0  }
0x1a2: {  	[sflag:s3] =	ssyncadd.s32 $0xFFFF8000  }
0x1a3: {  	s0 =	sadd.s32 $0xFFFFFFFF, s0;
	s5 =	smov.u32 s6;
	_ =	swait.ge [sflag:s3], $0x8000  }
0x1a4: {  	s6 =	smov.u32 s1;
	s1 =	rddreg [dreg:$0x3];
	[sflag:s3] =	ssyncset.done $0x0  }
.LBB2_3:
0x1a5: {  	[sflag:s3] =	ssyncadd.s32 @p0 $0xFFFF8000  }
0x1a6: {  	[tilespmem:s2], [sflag:$0x1] =	stream.linear.gather [hbm4b:s1+s2], $0x8000, $0x38;
	[tilespmem:$0x10000] =	vst v63  }
0x1a7: {  	_ =	swait.ge [sflag:s21], $0x8000  }
0x1a8: {  	[sflag:s21] =	ssyncset.done $0x0  }
0x1a9: {  	s0 =	rddreg [dreg:$0x4];
	[sflag:s21] =	ssyncadd.s32 $0xFFFF8000  }
0x1aa: {  	[tilespmem:s31], [sflag:$0x2] =	stream.linear.gather [hbm4b:s0+s2], $0x8000, $0x38;
	[tilespmem:$0x10000] =	vst v63  }
0x1ab: {  	_ = 	snop  }
0x1ac: {  	[hbm4b:s14+s2] =	stream.linear.scatter [tilespmem:s2], [sflag:$0x3], $0x8000, $0x38;
	[tilespmem:$0x10000] =	vst v63  }
0x1ad: {  	s0 =	rddreg [dreg:$0x5]  }
0x1ae: {  	[hbm4b:s0+s2] =	stream.linear.scatter [tilespmem:s2], [sflag:$0x3], $0x8000, $0x38;
	[tilespmem:$0x10000] =	vst v63  }
0x1af: {  	s1 =	rddreg [dreg:$0x6]  }
0x1b0: {  	[hbm4b:s1+s2] =	stream.linear.scatter [tilespmem:s2], [sflag:$0x3], $0x8000, $0x38;
	[tilespmem:$0x10000] =	vst v63  }
0x1b1: {  	s14 =	rddreg [dreg:$0x7]  }
0x1b2: {  	[hbm4b:s14+s2] =	stream.linear.scatter [tilespmem:s2], [sflag:$0x3], $0x8000, $0x38;
	[tilespmem:$0x10000] =	vst v63  }
0x1b3: {  	_ =	swait.ge [sflag:s15], $0x8000  }
0x1b4: {  	[sflag:s15] =	ssyncset.done $0x0  }
0x1b5: {  	[sflag:s15] =	ssyncadd.s32 $0xFFFF8000  }
0x1b6: {  	_ =	swait.ge [sflag:s4], $0x8000  }
0x1b7: {  	[sflag:s4] =	ssyncset.done $0x0  }
0x1b8: {  	[sflag:s4] =	ssyncadd.s32 $0xFFFF8000  }
0x1b9: {  	_ =	swait.ge [sflag:s4], $0x8000  }
0x1ba: {  	[sflag:s4] =	ssyncset.done $0x0  }
0x1bb: {  	[sflag:s4] =	ssyncadd.s32 $0xFFFF8000  }
0x1bc: {  	_ =	swait.ge [sflag:s4], $0x8000  }
0x1bd: {  	[sflag:s4] =	ssyncset.done $0x0  }
0x1be: {  	[sflag:s4] =	ssyncadd.s32 $0xFFFF8000  }
0x1bf: {  	_ =	swait.ge [sflag:s4], $0x8000  }
0x1c0: {  	[sflag:s4] =	ssyncset.done $0x0  }
0x1c1: {  	s14 =	rddreg [dreg:$0x8];
	[sflag:s4] =	ssyncadd.s32 $0xFFFF8000  }
0x1c2: {  	[tilespmem:s2], [sflag:$0x1] =	stream.linear.gather [hbm4b:s14+s2], $0x8000, $0x38;
	[tilespmem:$0x10000] =	vst v63  }
0x1c3: {  	s1 =	rddreg [dreg:$0x9]  }
0x1c4: {  	[hbm4b:s1+s2] =	stream.linear.scatter [tilespmem:s31], [sflag:$0x4], $0x8000, $0x38;
	[tilespmem:$0x10000] =	vst v63  }
0x1c5: {  	s14 =	rddreg [dreg:$0xa]  }
0x1c6: {  	[hbm4b:s14+s2] =	stream.linear.scatter [tilespmem:s31], [sflag:$0x4], $0x8000, $0x38;
	[tilespmem:$0x10000] =	vst v63  }
0x1c7: {  	s1 =	rddreg [dreg:$0xb]  }
0x1c8: {  	[hbm4b:s1+s2] =	stream.linear.scatter [tilespmem:s31], [sflag:$0x4], $0x8000, $0x38;
	[tilespmem:$0x10000] =	vst v63  }
0x1c9: {  	s14 =	rddreg [dreg:$0xc]  }
0x1ca: {  	[hbm4b:s14+s2] =	stream.linear.scatter [tilespmem:s31], [sflag:$0x4], $0x8000, $0x38;
	[tilespmem:$0x10000] =	vst v63  }
0x1cb: {  	_ =	swait.ge [sflag:s21], $0x8000  }
0x1cc: {  	[sflag:s21] =	ssyncset.done $0x0  }
0x1cd: {  	[sflag:s21] =	ssyncadd.s32 $0xFFFF8000  }
0x1ce: {  	_ =	swait.ge [sflag:s3], $0x8000  }
0x1cf: {  	[sflag:s3] =	ssyncset.done $0x0  }
0x1d0: {  	[sflag:s3] =	ssyncadd.s32 $0xFFFF8000  }
0x1d1: {  	_ =	swait.ge [sflag:s3], $0x8000  }
0x1d2: {  	[sflag:s3] =	ssyncset.done $0x0  }
0x1d3: {  	[sflag:s3] =	ssyncadd.s32 $0xFFFF8000  }
0x1d4: {  	_ =	swait.ge [sflag:s3], $0x8000  }
0x1d5: {  	[sflag:s3] =	ssyncset.done $0x0  }
0x1d6: {  	[sflag:s3] =	ssyncadd.s32 $0xFFFF8000  }
0x1d7: {  	_ =	swait.ge [sflag:s3], $0x8000  }
0x1d8: {  	[sflag:s3] =	ssyncset.done $0x0  }
0x1d9: {  	s14 =	rddreg [dreg:$0xd];
	[sflag:s3] =	ssyncadd.s32 $0xFFFF8000  }
0x1da: {  	[tilespmem:s31], [sflag:$0x2] =	stream.linear.gather [hbm4b:s14+s2], $0x8000, $0x38;
	[tilespmem:$0x10000] =	vst v63  }
0x1db: {  	s1 =	rddreg [dreg:$0xe]  }
0x1dc: {  	[hbm4b:s1+s2] =	stream.linear.scatter [tilespmem:s2], [sflag:$0x3], $0x8000, $0x38;
	[tilespmem:$0x10000] =	vst v63  }
0x1dd: {  	s14 =	rddreg [dreg:$0xf]  }
0x1de: {  	[hbm4b:s14+s2] =	stream.linear.scatter [tilespmem:s2], [sflag:$0x3], $0x8000, $0x38;
	[tilespmem:$0x10000] =	vst v63  }
0x1df: {  	s1 =	rddreg [dreg:$0x10]  }
0x1e0: {  	[hbm4b:s1+s2] =	stream.linear.scatter [tilespmem:s2], [sflag:$0x3], $0x8000, $0x38;
	[tilespmem:$0x10000] =	vst v63  }
0x1e1: {  	s14 =	rddreg [dreg:$0x11]  }
0x1e2: {  	[hbm4b:s14+s2] =	stream.linear.scatter [tilespmem:s2], [sflag:$0x3], $0x8000, $0x38;
	[tilespmem:$0x10000] =	vst v63  }
0x1e3: {  	_ =	swait.ge [sflag:s15], $0x8000  }
0x1e4: {  	[sflag:s15] =	ssyncset.done $0x0  }
0x1e5: {  	[sflag:s15] =	ssyncadd.s32 $0xFFFF8000  }
0x1e6: {  	_ =	swait.ge [sflag:s4], $0x8000  }
0x1e7: {  	[sflag:s4] =	ssyncset.done $0x0  }
0x1e8: {  	[sflag:s4] =	ssyncadd.s32 $0xFFFF8000  }
0x1e9: {  	_ =	swait.ge [sflag:s4], $0x8000  }
0x1ea: {  	[sflag:s4] =	ssyncset.done $0x0  }
0x1eb: {  	[sflag:s4] =	ssyncadd.s32 $0xFFFF8000  }
0x1ec: {  	_ =	swait.ge [sflag:s4], $0x8000  }
0x1ed: {  	[sflag:s4] =	ssyncset.done $0x0  }
0x1ee: {  	[sflag:s4] =	ssyncadd.s32 $0xFFFF8000  }
0x1ef: {  	_ =	swait.ge [sflag:s4], $0x8000  }
0x1f0: {  	[sflag:s4] =	ssyncset.done $0x0  }
0x1f1: {  	s1 =	rddreg [dreg:$0x12];
	[sflag:s4] =	ssyncadd.s32 $0xFFFF8000  }
0x1f2: {  	[tilespmem:s2], [sflag:$0x1] =	stream.linear.gather [hbm4b:s1+s2], $0x8000, $0x38;
	[tilespmem:$0x10000] =	vst v63  }
0x1f3: {  	s14 =	rddreg [dreg:$0x13]  }
0x1f4: {  	[hbm4b:s14+s2] =	stream.linear.scatter [tilespmem:s31], [sflag:$0x4], $0x8000, $0x38;
	[tilespmem:$0x10000] =	vst v63  }
0x1f5: {  	_ = 	snop  }
0x1f6: {  	[hbm4b:s28+s2] =	stream.linear.scatter [tilespmem:s31], [sflag:$0x4], $0x8000, $0x38;
	[tilespmem:$0x10000] =	vst v63  }
0x1f7: {  	_ = 	snop  }
0x1f8: {  	[hbm4b:s29+s2] =	stream.linear.scatter [tilespmem:s31], [sflag:$0x4], $0x8000, $0x38;
	[tilespmem:$0x10000] =	vst v63  }
0x1f9: {  	_ = 	snop  }
0x1fa: {  	[hbm4b:s30+s2] =	stream.linear.scatter [tilespmem:s31], [sflag:$0x4], $0x8000, $0x38;
	[tilespmem:$0x10000] =	vst v63  }
0x1fb: {  	_ =	swait.ge [sflag:s21], $0x8000  }
0x1fc: {  	[sflag:s21] =	ssyncset.done $0x0  }
0x1fd: {  	[sflag:s21] =	ssyncadd.s32 $0xFFFF8000  }
0x1fe: {  	_ =	swait.ge [sflag:s3], $0x8000  }
0x1ff: {  	[sflag:s3] =	ssyncset.done $0x0  }
0x200: {  	[sflag:s3] =	ssyncadd.s32 $0xFFFF8000  }
0x201: {  	_ =	swait.ge [sflag:s3], $0x8000  }
0x202: {  	[sflag:s3] =	ssyncset.done $0x0  }
0x203: {  	[sflag:s3] =	ssyncadd.s32 $0xFFFF8000  }
0x204: {  	_ =	swait.ge [sflag:s3], $0x8000  }
0x205: {  	[sflag:s3] =	ssyncset.done $0x0  }
0x206: {  	[sflag:s3] =	ssyncadd.s32 $0xFFFF8000  }
0x207: {  	_ =	swait.ge [sflag:s3], $0x8000  }
0x208: {  	[sflag:s3] =	ssyncset.done $0x0  }
0x209: {  	[sflag:s3] =	ssyncadd.s32 $0xFFFF8000  }
0x20a: {  	[tilespmem:s31], [sflag:$0x2] =	stream.linear.gather [hbm4b:s22+s2], $0x8000, $0x38;
	[tilespmem:$0x10000] =	vst v63  }
0x20b: {  	_ = 	snop  }
0x20c: {  	[hbm4b:s23+s2] =	stream.linear.scatter [tilespmem:s2], [sflag:$0x3], $0x8000, $0x38;
	[tilespmem:$0x10000] =	vst v63  }
0x20d: {  	_ = 	snop  }
0x20e: {  	[hbm4b:s24+s2] =	stream.linear.scatter [tilespmem:s2], [sflag:$0x3], $0x8000, $0x38;
	[tilespmem:$0x10000] =	vst v63  }
0x20f: {  	_ = 	snop  }
0x210: {  	[hbm4b:s25+s2] =	stream.linear.scatter [tilespmem:s2], [sflag:$0x3], $0x8000, $0x38;
	[tilespmem:$0x10000] =	vst v63  }
0x211: {  	_ = 	snop  }
0x212: {  	[hbm4b:s26+s2] =	stream.linear.scatter [tilespmem:s2], [sflag:$0x3], $0x8000, $0x38;
	[tilespmem:$0x10000] =	vst v63  }
0x213: {  	_ =	swait.ge [sflag:s15], $0x8000  }
0x214: {  	[sflag:s15] =	ssyncset.done $0x0  }
0x215: {  	[sflag:s15] =	ssyncadd.s32 $0xFFFF8000  }
0x216: {  	_ =	swait.ge [sflag:s4], $0x8000  }
0x217: {  	[sflag:s4] =	ssyncset.done $0x0  }
0x218: {  	[sflag:s4] =	ssyncadd.s32 $0xFFFF8000  }
0x219: {  	_ =	swait.ge [sflag:s4], $0x8000  }
0x21a: {  	[sflag:s4] =	ssyncset.done $0x0  }
0x21b: {  	[sflag:s4] =	ssyncadd.s32 $0xFFFF8000  }
0x21c: {  	_ =	swait.ge [sflag:s4], $0x8000  }
0x21d: {  	[sflag:s4] =	ssyncset.done $0x0  }
0x21e: {  	[sflag:s4] =	ssyncadd.s32 $0xFFFF8000  }
0x21f: {  	_ =	swait.ge [sflag:s4], $0x8000  }
0x220: {  	[sflag:s4] =	ssyncset.done $0x0  }
0x221: {  	[sflag:s4] =	ssyncadd.s32 $0xFFFF8000  }
0x222: {  	[tilespmem:s2], [sflag:$0x1] =	stream.linear.gather [hbm4b:s16+s2], $0x8000, $0x38;
	[tilespmem:$0x10000] =	vst v63  }
0x223: {  	_ = 	snop  }
0x224: {  	[hbm4b:s17+s2] =	stream.linear.scatter [tilespmem:s31], [sflag:$0x4], $0x8000, $0x38;
	[tilespmem:$0x10000] =	vst v63  }
0x225: {  	_ = 	snop  }
0x226: {  	[hbm4b:s18+s2] =	stream.linear.scatter [tilespmem:s31], [sflag:$0x4], $0x8000, $0x38;
	[tilespmem:$0x10000] =	vst v63  }
0x227: {  	_ = 	snop  }
0x228: {  	[hbm4b:s19+s2] =	stream.linear.scatter [tilespmem:s31], [sflag:$0x4], $0x8000, $0x38;
	[tilespmem:$0x10000] =	vst v63  }
0x229: {  	_ = 	snop  }
0x22a: {  	[hbm4b:s20+s2] =	stream.linear.scatter [tilespmem:s31], [sflag:$0x4], $0x8000, $0x38;
	[tilespmem:$0x10000] =	vst v63  }
0x22b: {  	_ =	swait.ge [sflag:s21], $0x8000  }
0x22c: {  	[sflag:s21] =	ssyncset.done $0x0  }
0x22d: {  	[sflag:s21] =	ssyncadd.s32 $0xFFFF8000  }
0x22e: {  	_ =	swait.ge [sflag:s3], $0x8000  }
0x22f: {  	[sflag:s3] =	ssyncset.done $0x0  }
0x230: {  	[sflag:s3] =	ssyncadd.s32 $0xFFFF8000  }
0x231: {  	_ =	swait.ge [sflag:s3], $0x8000  }
0x232: {  	[sflag:s3] =	ssyncset.done $0x0  }
0x233: {  	[sflag:s3] =	ssyncadd.s32 $0xFFFF8000  }
0x234: {  	_ =	swait.ge [sflag:s3], $0x8000  }
0x235: {  	[sflag:s3] =	ssyncset.done $0x0  }
0x236: {  	[sflag:s3] =	ssyncadd.s32 $0xFFFF8000  }
0x237: {  	_ =	swait.ge [sflag:s3], $0x8000  }
0x238: {  	[sflag:s3] =	ssyncset.done $0x0  }
0x239: {  	[sflag:s3] =	ssyncadd.s32 $0xFFFF8000  }
0x23a: {  	[tilespmem:s31], [sflag:$0x2] =	stream.linear.gather [hbm4b:s8+s2], $0x8000, $0x38;
	[tilespmem:$0x10000] =	vst v63  }
0x23b: {  	_ = 	snop  }
0x23c: {  	[hbm4b:s9+s2] =	stream.linear.scatter [tilespmem:s2], [sflag:$0x3], $0x8000, $0x38;
	[tilespmem:$0x10000] =	vst v63  }
0x23d: {  	_ = 	snop  }
0x23e: {  	[hbm4b:s10+s2] =	stream.linear.scatter [tilespmem:s2], [sflag:$0x3], $0x8000, $0x38;
	[tilespmem:$0x10000] =	vst v63  }
0x23f: {  	_ = 	snop  }
0x240: {  	[hbm4b:s11+s2] =	stream.linear.scatter [tilespmem:s2], [sflag:$0x3], $0x8000, $0x38;
	[tilespmem:$0x10000] =	vst v63  }
0x241: {  	_ = 	snop  }
0x242: {  	[hbm4b:s12+s2] =	stream.linear.scatter [tilespmem:s2], [sflag:$0x3], $0x8000, $0x38;
	[tilespmem:$0x10000] =	vst v63  }
0x243: {  	_ =	swait.ge [sflag:s15], $0x8000  }
0x244: {  	[sflag:s15] =	ssyncset.done $0x0  }
0x245: {  	[sflag:s15] =	ssyncadd.s32 $0xFFFF8000  }
0x246: {  	[hbm4b:s5+s2] =	stream.linear.scatter [tilespmem:s31], [sflag:$0x4], $0x8000, $0x38;
	[tilespmem:$0x10000] =	vst v63  }
0x247: {  	_ = 	snop  }
0x248: {  	[hbm4b:s6+s2] =	stream.linear.scatter [tilespmem:s31], [sflag:$0x4], $0x8000, $0x38;
	[tilespmem:$0x10000] =	vst v63  }
0x249: {  	_ = 	snop  }
0x24a: {  	[hbm4b:s7+s2] =	stream.linear.scatter [tilespmem:s31], [sflag:$0x4], $0x8000, $0x38;
	[tilespmem:$0x10000] =	vst v63  }
0x24b: {  	_ = 	snop  }
0x24c: {  	[hbm4b:s13+s2] =	stream.linear.scatter [tilespmem:s31], [sflag:$0x4], $0x8000, $0x38;
	[tilespmem:$0x10000] =	vst v63  }
0x24d: {  	_ =	swait.ge [sflag:s4], $0x8000  }
0x24e: {  	[sflag:s4] =	ssyncset.done $0x0  }
0x24f: {  	[sflag:s4] =	ssyncadd.s32 $0xFFFF8000  }
0x250: {  	_ =	swait.ge [sflag:s4], $0x8000  }
0x251: {  	[sflag:s4] =	ssyncset.done $0x0  }
0x252: {  	[sflag:s4] =	ssyncadd.s32 $0xFFFF8000  }
0x253: {  	_ =	swait.ge [sflag:s4], $0x8000  }
0x254: {  	[sflag:s4] =	ssyncset.done $0x0  }
0x255: {  	[sflag:s4] =	ssyncadd.s32 $0xFFFF8000  }
0x256: {  	_ =	swait.ge [sflag:s4], $0x8000  }
0x257: {  	[sflag:s4] =	ssyncset.done $0x0  }
0x258: {  	[sflag:s4] =	ssyncadd.s32 $0xFFFF8000  }
0x259: {  	_ =	swait.ge [sflag:s3], $0x8000  }
0x25a: {  	[sflag:s3] =	ssyncset.done $0x0  }
0x25b: {  	[sflag:s3] =	ssyncadd.s32 $0xFFFF8000  }
0x25c: {  	_ =	swait.ge [sflag:s3], $0x8000  }
0x25d: {  	[sflag:s3] =	ssyncset.done $0x0  }
0x25e: {  	[sflag:s3] =	ssyncadd.s32 $0xFFFF8000  }
0x25f: {  	_ =	swait.ge [sflag:s3], $0x8000  }
0x260: {  	[sflag:s3] =	ssyncset.done $0x0  }
0x261: {  	[sflag:s3] =	ssyncadd.s32 $0xFFFF8000  }
0x262: {  	_ =	swait.ge [sflag:s3], $0x8000  }
0x263: {  	[sflag:s3] =	ssyncset.done $0x0  }
0x264: {  	[sflag:s3] =	ssyncadd.s32 $0xFFFF8000  }
0x265: {  	_ =	sfence.sel $0x180000  }
0x266: {  	[bflag:$0x0] =	sbarrier.arrive $0xFFFF  }
0x267: {  	_ =	strace $0x90000047  }
0x268: {  	s31 =	stileid.u32;
	[bflag:$0x2] =	sbarrier.arrive $0xFFFF  }
0x269: {  	p0 =	sne.s32 s31, $0x0;
	s0 =	rddreg [dreg:$0x2]  }
0x26a: {  	s0 =	sadd.s32 @!p0 $0x100000, s0  }
0x26b: {  	[sflag:s0] =	ssyncadd.tile.s32 @!p0 $0x1;
	_ =	shalt  }
.Lfunc_end2:
_tile_overlayer_lowered:
.L_overlay_start_2:
0x26c: {  	(tag) =	ssettag $0x2  }
0x26d: {  	s0 =	rddreg [dreg:$0x0];
	s2 =	stileid.u32  }
0x26e: {  	s1 =	rddreg [dreg:$0x1];
	p0 =	sne.s32 s2, $0x0  }
0x26f: {  	s3 =	rddreg [dreg:$0x2];
	[bflag:$0x3] =	sbarrier.arrive $0xFFFF;
	s2 =	simm.s32 @!p0 $0x1C05  }
0x270: {  	[timem:s3], [sflag:s2] =	dma.local @!p0 [hbm:s0], s1  }
0x271: {  	s0 =	simm.s32 @!p0 $0x5  }
0x272: {  	_ =	swait.ge @!p0 [sflag:s0], s1  }
0x273: {  	s1 =	ssub.s32 @!p0 $0x0, s1;
	[sflag:s0] =	ssyncset.done @!p0 $0x0  }
0x274: {  	[sflag:s0] =	ssyncadd.s32 @!p0 s1  }
0x275: {  	[bflag:$0x3] =	sbarrier.arrive $0xFFFF  }
0x276: {  	_ =	shalt  }

</sc_bundles>
